<compile_context>
chip_gen: v7x
topology: tpu7x:2x2x1
jax: 0.10.2.dev20260603
libtpu: 0.0.44.dev20260713+nightly
codegen_flags: <defaults>
</compile_context>

<pallas_src>
import functools

import jax
import jax.numpy as jnp
from jax import lax
from jax.experimental import pallas as pl
from jax.experimental.pallas import tpu as pltpu
from jax.experimental.pallas import tpu_sc as plsc

_CHUNKS = (16, 32, 64, 128, 128, 96, 32, 16)


def _make_lookup(B, V, D, b_per_w, NC, NS, chunks):
    assert sum(chunks) == b_per_w
    mesh = plsc.VectorSubcoreMesh(core_axis_name="c", subcore_axis_name="s")
    rows_per_loader = 64

    @functools.partial(
        pl.kernel,
        mesh=mesh,
        out_type=jax.ShapeDtypeStruct((B, D), jnp.float32),
        scratch_types=[
            pltpu.VMEM_SHARED((V, D), jnp.float32),
            pltpu.VMEM((b_per_w,), jnp.int32),
            pltpu.VMEM((b_per_w, D), jnp.float32),
            pltpu.SemaphoreType.DMA,
            pltpu.SemaphoreType.DMA,
            pltpu.SemaphoreType.DMA,
        ],
    )
    def lookup(table_hbm, idx_hbm, out_hbm, table_s, idx_v, rows_v, lsem, gsem, ssem):
        sid = lax.axis_index("s")
        wid = sid * NC + lax.axis_index("c")
        base = wid * b_per_w
        idx_cp = pltpu.async_copy(idx_hbm.at[pl.ds(base, b_per_w)], idx_v, lsem)
        for k in range(NS):
            r0 = k * rows_per_loader
            nrows = min(rows_per_loader, V - r0)

            @pl.when(sid == k)
            def _load_table(r0=r0, nrows=nrows):
                pltpu.async_copy(
                    table_hbm.at[pl.ds(r0, nrows)],
                    table_s.at[pl.ds(r0, nrows)],
                    lsem,
                ).wait()

        idx_cp.wait()
        plsc.subcore_barrier()
        gathers = []
        off = 0
        for ch in chunks:
            gathers.append(
                pltpu.async_copy(
                    table_s.at[idx_v.at[pl.ds(off, ch)]],
                    rows_v.at[pl.ds(off, ch)],
                    gsem,
                )
            )
            off += ch
        scatters = []
        off = 0
        for i, ch in enumerate(chunks):
            gathers[i].wait()
            scatters.append(
                pltpu.async_copy(
                    rows_v.at[pl.ds(off, ch)],
                    out_hbm.at[pl.ds(base + off, ch)],
                    ssem,
                )
            )
            off += ch
        for s in scatters:
            s.wait()

    return lookup


def kernel(timestep, pos_table):
    B = timestep.shape[0]
    V, D = pos_table.shape
    info = plsc.get_sparse_core_info()
    NC, NS = info.num_cores, info.num_subcores
    NW = NC * NS
    b_per_w = B // NW
    lookup = _make_lookup(B, V, D, b_per_w, NC, NS, _CHUNKS)
    return lookup(pos_table, timestep.astype(jnp.int32))

# --- scband reference (transcript-rebuilt; emitter-appended) ---
"""Pipeline reference for scband-positional-encoding-52140902973750 (READ-ONLY COPY).

The authoritative reference and input builder live on the scoring server;
editing this copy changes nothing except your own understanding.
"""

import jax, jax.numpy as jnp
import numpy as np

TIME_EMB_DIM = 128
N_TIMESTEPS = 1000


def _get_sinusoid_encoding_table(time_emb_dim, n_timesteps):
    pos = np.arange(n_timesteps, dtype=np.float64)[:, None]
    d = np.arange(time_emb_dim, dtype=np.float64)[None, :]
    angles = pos / np.power(10000.0, 2.0 * (np.floor(d / 2.0)) / float(time_emb_dim))
    table = angles.copy()
    table[:, 0::2] = np.sin(angles[:, 0::2])
    table[:, 1::2] = np.cos(angles[:, 1::2])
    return jnp.asarray(table, dtype=jnp.float32)


def setup_inputs(seed: int = 0) -> dict:
    key = jax.random.key(seed)
    timestep = jax.random.randint(key, (16384,), 0, N_TIMESTEPS, dtype=jnp.int64 if jax.config.jax_enable_x64 else jnp.int32)
    pos_table = _get_sinusoid_encoding_table(TIME_EMB_DIM, N_TIMESTEPS)
    return {"timestep": timestep, "pos_table": pos_table}


def reference(timestep, pos_table):
    # Faithful translation: positional_encodings = self.pos_table[timestep, :]
    positional_encodings = jnp.take(pos_table, timestep, axis=0)
    return positional_encodings

if __name__ == "__main__":
    import jax
    _d = setup_inputs()
    print(jax.jit(kernel)(*tuple(_d.values())))

</pallas_src>

<mosaic_0001>
#map = affine_map<(d0, d1) -> (0, 0)>
#map1 = affine_map<(d0, d1) -> (0)>
module attributes {stable_mosaic.version = 14 : i64} {
  func.func @lookup(%arg0: i32, %arg1: i32, %arg2: memref<1000x128xf32, #tpu.memory_space<hbm>>, %arg3: memref<16384xi32, #tpu.memory_space<hbm>>, %arg4: memref<16384x128xf32, #tpu.memory_space<hbm>>, %arg5: memref<1000x128xf32, #tpu.memory_space<vmem_shared>>, %arg6: memref<512xi32, #tpu.memory_space<vmem>>, %arg7: memref<512x128xf32, #tpu.memory_space<vmem>>, %arg8: memref<!tpu.dma_semaphore, #tpu.memory_space<semaphore_mem>>, %arg9: memref<!tpu.dma_semaphore, #tpu.memory_space<semaphore_mem>>, %arg10: memref<!tpu.dma_semaphore, #tpu.memory_space<semaphore_mem>>) attributes {dimension_semantics = [#tpu.dimension_semantics<core_parallel>, #tpu.dimension_semantics<subcore_parallel>], iteration_bounds = array<i64: 2, 16>, scalar_prefetch = 0 : i64, scratch_operands = 6 : i64, tpu.core_type = #tpu.core_type<sc_vector_subcore>, window_params = [{transform_indices = #map}, {transform_indices = #map1}, {transform_indices = #map}]} {
    %mul3A = arith.constant 2 : i32
    %mul3A_0 = arith.muli %arg1, %mul3A : i32
    %add3A = arith.addi %mul3A_0, %arg0 : i32
    %mul3A_1 = arith.constant 512 : i32
    %mul3A_2 = arith.muli %add3A, %mul3A_1 : i32
    %dma_start3A = tpu.memref_slice %arg3[%mul3A_2] : memref<16384xi32, #tpu.memory_space<hbm>> -> memref<512xi32, #tpu.memory_space<hbm>>
    %dma_start3A_3 = tpu.memref_slice %arg3[%mul3A_2] : memref<16384xi32, #tpu.memory_space<hbm>> -> memref<512xi32, #tpu.memory_space<hbm>>
    tpu.enqueue_dma source(%dma_start3A_3 : memref<512xi32, #tpu.memory_space<hbm>>) target(%arg6 : memref<512xi32, #tpu.memory_space<vmem>>) target_semaphore(%arg8 : memref<!tpu.dma_semaphore, #tpu.memory_space<semaphore_mem>>)
    %eq3A = arith.constant 0 : i32
    %eq3A_4 = arith.cmpi eq, %arg1, %eq3A : i32
    %convert_element_type3A = arith.extui %eq3A_4 : i1 to i32
    %cond3A = arith.constant 0 : i32
    %cond3A_5 = arith.cmpi ne, %convert_element_type3A, %cond3A : i32
    scf.if %cond3A_5 {
      %dma_start3A_386 = arith.constant 0 : i32
      %dma_start3A_387 = arith.constant 0 : i32
      %dma_start3A_388 = tpu.memref_slice %arg5[%dma_start3A_386, %dma_start3A_387] : memref<1000x128xf32, #tpu.memory_space<vmem_shared>> -> memref<64x128xf32, #tpu.memory_space<vmem_shared>>
      %dma_start3A_389 = arith.constant 0 : i32
      %dma_start3A_390 = arith.constant 0 : i32
      %dma_start3A_391 = tpu.memref_slice %arg2[%dma_start3A_389, %dma_start3A_390] : memref<1000x128xf32, #tpu.memory_space<hbm>> -> memref<64x128xf32, #tpu.memory_space<hbm>>
      tpu.enqueue_dma source(%dma_start3A_391 : memref<64x128xf32, #tpu.memory_space<hbm>>) target(%dma_start3A_388 : memref<64x128xf32, #tpu.memory_space<vmem_shared>>) target_semaphore(%arg8 : memref<!tpu.dma_semaphore, #tpu.memory_space<semaphore_mem>>)
      %dma_wait3A_392 = arith.constant 0 : i32
      %dma_wait3A_393 = arith.constant 0 : i32
      %dma_wait3A_394 = tpu.memref_slice %arg5[%dma_wait3A_392, %dma_wait3A_393] : memref<1000x128xf32, #tpu.memory_space<vmem_shared>> -> memref<64x128xf32, #tpu.memory_space<vmem_shared>>
      %dma_wait3A_395 = arith.constant 0 : i32
      %dma_wait3A_396 = arith.constant 0 : i32
      %dma_wait3A_397 = tpu.memref_slice %arg2[%dma_wait3A_395, %dma_wait3A_396] : memref<1000x128xf32, #tpu.memory_space<hbm>> -> memref<64x128xf32, #tpu.memory_space<hbm>>
      tpu.wait_dma2 semaphore(%arg8 : memref<!tpu.dma_semaphore, #tpu.memory_space<semaphore_mem>>) src(%dma_wait3A_397 : memref<64x128xf32, #tpu.memory_space<hbm>>) dst(%dma_wait3A_394 : memref<64x128xf32, #tpu.memory_space<vmem_shared>>)
    } else {
    }
    %eq3A_6 = arith.constant 1 : i32
    %eq3A_7 = arith.cmpi eq, %arg1, %eq3A_6 : i32
    %convert_element_type3A_8 = arith.extui %eq3A_7 : i1 to i32
    %cond3A_9 = arith.constant 0 : i32
    %cond3A_10 = arith.cmpi ne, %convert_element_type3A_8, %cond3A_9 : i32
    scf.if %cond3A_10 {
      %dma_start3A_386 = arith.constant 64 : i32
      %dma_start3A_387 = arith.constant 0 : i32
      %dma_start3A_388 = tpu.memref_slice %arg5[%dma_start3A_386, %dma_start3A_387] : memref<1000x128xf32, #tpu.memory_space<vmem_shared>> -> memref<64x128xf32, #tpu.memory_space<vmem_shared>>
      %dma_start3A_389 = arith.constant 64 : i32
      %dma_start3A_390 = arith.constant 0 : i32
      %dma_start3A_391 = tpu.memref_slice %arg2[%dma_start3A_389, %dma_start3A_390] : memref<1000x128xf32, #tpu.memory_space<hbm>> -> memref<64x128xf32, #tpu.memory_space<hbm>>
      tpu.enqueue_dma source(%dma_start3A_391 : memref<64x128xf32, #tpu.memory_space<hbm>>) target(%dma_start3A_388 : memref<64x128xf32, #tpu.memory_space<vmem_shared>>) target_semaphore(%arg8 : memref<!tpu.dma_semaphore, #tpu.memory_space<semaphore_mem>>)
      %dma_wait3A_392 = arith.constant 64 : i32
      %dma_wait3A_393 = arith.constant 0 : i32
      %dma_wait3A_394 = tpu.memref_slice %arg5[%dma_wait3A_392, %dma_wait3A_393] : memref<1000x128xf32, #tpu.memory_space<vmem_shared>> -> memref<64x128xf32, #tpu.memory_space<vmem_shared>>
      %dma_wait3A_395 = arith.constant 64 : i32
      %dma_wait3A_396 = arith.constant 0 : i32
      %dma_wait3A_397 = tpu.memref_slice %arg2[%dma_wait3A_395, %dma_wait3A_396] : memref<1000x128xf32, #tpu.memory_space<hbm>> -> memref<64x128xf32, #tpu.memory_space<hbm>>
      tpu.wait_dma2 semaphore(%arg8 : memref<!tpu.dma_semaphore, #tpu.memory_space<semaphore_mem>>) src(%dma_wait3A_397 : memref<64x128xf32, #tpu.memory_space<hbm>>) dst(%dma_wait3A_394 : memref<64x128xf32, #tpu.memory_space<vmem_shared>>)
    } else {
    }
    %eq3A_11 = arith.constant 2 : i32
    %eq3A_12 = arith.cmpi eq, %arg1, %eq3A_11 : i32
    %convert_element_type3A_13 = arith.extui %eq3A_12 : i1 to i32
    %cond3A_14 = arith.constant 0 : i32
    %cond3A_15 = arith.cmpi ne, %convert_element_type3A_13, %cond3A_14 : i32
    scf.if %cond3A_15 {
      %dma_start3A_386 = arith.constant 128 : i32
      %dma_start3A_387 = arith.constant 0 : i32
      %dma_start3A_388 = tpu.memref_slice %arg5[%dma_start3A_386, %dma_start3A_387] : memref<1000x128xf32, #tpu.memory_space<vmem_shared>> -> memref<64x128xf32, #tpu.memory_space<vmem_shared>>
      %dma_start3A_389 = arith.constant 128 : i32
      %dma_start3A_390 = arith.constant 0 : i32
      %dma_start3A_391 = tpu.memref_slice %arg2[%dma_start3A_389, %dma_start3A_390] : memref<1000x128xf32, #tpu.memory_space<hbm>> -> memref<64x128xf32, #tpu.memory_space<hbm>>
      tpu.enqueue_dma source(%dma_start3A_391 : memref<64x128xf32, #tpu.memory_space<hbm>>) target(%dma_start3A_388 : memref<64x128xf32, #tpu.memory_space<vmem_shared>>) target_semaphore(%arg8 : memref<!tpu.dma_semaphore, #tpu.memory_space<semaphore_mem>>)
      %dma_wait3A_392 = arith.constant 128 : i32
      %dma_wait3A_393 = arith.constant 0 : i32
      %dma_wait3A_394 = tpu.memref_slice %arg5[%dma_wait3A_392, %dma_wait3A_393] : memref<1000x128xf32, #tpu.memory_space<vmem_shared>> -> memref<64x128xf32, #tpu.memory_space<vmem_shared>>
      %dma_wait3A_395 = arith.constant 128 : i32
      %dma_wait3A_396 = arith.constant 0 : i32
      %dma_wait3A_397 = tpu.memref_slice %arg2[%dma_wait3A_395, %dma_wait3A_396] : memref<1000x128xf32, #tpu.memory_space<hbm>> -> memref<64x128xf32, #tpu.memory_space<hbm>>
      tpu.wait_dma2 semaphore(%arg8 : memref<!tpu.dma_semaphore, #tpu.memory_space<semaphore_mem>>) src(%dma_wait3A_397 : memref<64x128xf32, #tpu.memory_space<hbm>>) dst(%dma_wait3A_394 : memref<64x128xf32, #tpu.memory_space<vmem_shared>>)
    } else {
    }
    %eq3A_16 = arith.constant 3 : i32
    %eq3A_17 = arith.cmpi eq, %arg1, %eq3A_16 : i32
    %convert_element_type3A_18 = arith.extui %eq3A_17 : i1 to i32
    %cond3A_19 = arith.constant 0 : i32
    %cond3A_20 = arith.cmpi ne, %convert_element_type3A_18, %cond3A_19 : i32
    scf.if %cond3A_20 {
      %dma_start3A_386 = arith.constant 192 : i32
      %dma_start3A_387 = arith.constant 0 : i32
      %dma_start3A_388 = tpu.memref_slice %arg5[%dma_start3A_386, %dma_start3A_387] : memref<1000x128xf32, #tpu.memory_space<vmem_shared>> -> memref<64x128xf32, #tpu.memory_space<vmem_shared>>
      %dma_start3A_389 = arith.constant 192 : i32
      %dma_start3A_390 = arith.constant 0 : i32
      %dma_start3A_391 = tpu.memref_slice %arg2[%dma_start3A_389, %dma_start3A_390] : memref<1000x128xf32, #tpu.memory_space<hbm>> -> memref<64x128xf32, #tpu.memory_space<hbm>>
      tpu.enqueue_dma source(%dma_start3A_391 : memref<64x128xf32, #tpu.memory_space<hbm>>) target(%dma_start3A_388 : memref<64x128xf32, #tpu.memory_space<vmem_shared>>) target_semaphore(%arg8 : memref<!tpu.dma_semaphore, #tpu.memory_space<semaphore_mem>>)
      %dma_wait3A_392 = arith.constant 192 : i32
      %dma_wait3A_393 = arith.constant 0 : i32
      %dma_wait3A_394 = tpu.memref_slice %arg5[%dma_wait3A_392, %dma_wait3A_393] : memref<1000x128xf32, #tpu.memory_space<vmem_shared>> -> memref<64x128xf32, #tpu.memory_space<vmem_shared>>
      %dma_wait3A_395 = arith.constant 192 : i32
      %dma_wait3A_396 = arith.constant 0 : i32
      %dma_wait3A_397 = tpu.memref_slice %arg2[%dma_wait3A_395, %dma_wait3A_396] : memref<1000x128xf32, #tpu.memory_space<hbm>> -> memref<64x128xf32, #tpu.memory_space<hbm>>
      tpu.wait_dma2 semaphore(%arg8 : memref<!tpu.dma_semaphore, #tpu.memory_space<semaphore_mem>>) src(%dma_wait3A_397 : memref<64x128xf32, #tpu.memory_space<hbm>>) dst(%dma_wait3A_394 : memref<64x128xf32, #tpu.memory_space<vmem_shared>>)
    } else {
    }
    %eq3A_21 = arith.constant 4 : i32
    %eq3A_22 = arith.cmpi eq, %arg1, %eq3A_21 : i32
    %convert_element_type3A_23 = arith.extui %eq3A_22 : i1 to i32
    %cond3A_24 = arith.constant 0 : i32
    %cond3A_25 = arith.cmpi ne, %convert_element_type3A_23, %cond3A_24 : i32
    scf.if %cond3A_25 {
      %dma_start3A_386 = arith.constant 256 : i32
      %dma_start3A_387 = arith.constant 0 : i32
      %dma_start3A_388 = tpu.memref_slice %arg5[%dma_start3A_386, %dma_start3A_387] : memref<1000x128xf32, #tpu.memory_space<vmem_shared>> -> memref<64x128xf32, #tpu.memory_space<vmem_shared>>
      %dma_start3A_389 = arith.constant 256 : i32
      %dma_start3A_390 = arith.constant 0 : i32
      %dma_start3A_391 = tpu.memref_slice %arg2[%dma_start3A_389, %dma_start3A_390] : memref<1000x128xf32, #tpu.memory_space<hbm>> -> memref<64x128xf32, #tpu.memory_space<hbm>>
      tpu.enqueue_dma source(%dma_start3A_391 : memref<64x128xf32, #tpu.memory_space<hbm>>) target(%dma_start3A_388 : memref<64x128xf32, #tpu.memory_space<vmem_shared>>) target_semaphore(%arg8 : memref<!tpu.dma_semaphore, #tpu.memory_space<semaphore_mem>>)
      %dma_wait3A_392 = arith.constant 256 : i32
      %dma_wait3A_393 = arith.constant 0 : i32
      %dma_wait3A_394 = tpu.memref_slice %arg5[%dma_wait3A_392, %dma_wait3A_393] : memref<1000x128xf32, #tpu.memory_space<vmem_shared>> -> memref<64x128xf32, #tpu.memory_space<vmem_shared>>
      %dma_wait3A_395 = arith.constant 256 : i32
      %dma_wait3A_396 = arith.constant 0 : i32
      %dma_wait3A_397 = tpu.memref_slice %arg2[%dma_wait3A_395, %dma_wait3A_396] : memref<1000x128xf32, #tpu.memory_space<hbm>> -> memref<64x128xf32, #tpu.memory_space<hbm>>
      tpu.wait_dma2 semaphore(%arg8 : memref<!tpu.dma_semaphore, #tpu.memory_space<semaphore_mem>>) src(%dma_wait3A_397 : memref<64x128xf32, #tpu.memory_space<hbm>>) dst(%dma_wait3A_394 : memref<64x128xf32, #tpu.memory_space<vmem_shared>>)
    } else {
    }
    %eq3A_26 = arith.constant 5 : i32
    %eq3A_27 = arith.cmpi eq, %arg1, %eq3A_26 : i32
    %convert_element_type3A_28 = arith.extui %eq3A_27 : i1 to i32
    %cond3A_29 = arith.constant 0 : i32
    %cond3A_30 = arith.cmpi ne, %convert_element_type3A_28, %cond3A_29 : i32
    scf.if %cond3A_30 {
      %dma_start3A_386 = arith.constant 320 : i32
      %dma_start3A_387 = arith.constant 0 : i32
      %dma_start3A_388 = tpu.memref_slice %arg5[%dma_start3A_386, %dma_start3A_387] : memref<1000x128xf32, #tpu.memory_space<vmem_shared>> -> memref<64x128xf32, #tpu.memory_space<vmem_shared>>
      %dma_start3A_389 = arith.constant 320 : i32
      %dma_start3A_390 = arith.constant 0 : i32
      %dma_start3A_391 = tpu.memref_slice %arg2[%dma_start3A_389, %dma_start3A_390] : memref<1000x128xf32, #tpu.memory_space<hbm>> -> memref<64x128xf32, #tpu.memory_space<hbm>>
      tpu.enqueue_dma source(%dma_start3A_391 : memref<64x128xf32, #tpu.memory_space<hbm>>) target(%dma_start3A_388 : memref<64x128xf32, #tpu.memory_space<vmem_shared>>) target_semaphore(%arg8 : memref<!tpu.dma_semaphore, #tpu.memory_space<semaphore_mem>>)
      %dma_wait3A_392 = arith.constant 320 : i32
      %dma_wait3A_393 = arith.constant 0 : i32
      %dma_wait3A_394 = tpu.memref_slice %arg5[%dma_wait3A_392, %dma_wait3A_393] : memref<1000x128xf32, #tpu.memory_space<vmem_shared>> -> memref<64x128xf32, #tpu.memory_space<vmem_shared>>
      %dma_wait3A_395 = arith.constant 320 : i32
      %dma_wait3A_396 = arith.constant 0 : i32
      %dma_wait3A_397 = tpu.memref_slice %arg2[%dma_wait3A_395, %dma_wait3A_396] : memref<1000x128xf32, #tpu.memory_space<hbm>> -> memref<64x128xf32, #tpu.memory_space<hbm>>
      tpu.wait_dma2 semaphore(%arg8 : memref<!tpu.dma_semaphore, #tpu.memory_space<semaphore_mem>>) src(%dma_wait3A_397 : memref<64x128xf32, #tpu.memory_space<hbm>>) dst(%dma_wait3A_394 : memref<64x128xf32, #tpu.memory_space<vmem_shared>>)
    } else {
    }
    %eq3A_31 = arith.constant 6 : i32
    %eq3A_32 = arith.cmpi eq, %arg1, %eq3A_31 : i32
    %convert_element_type3A_33 = arith.extui %eq3A_32 : i1 to i32
    %cond3A_34 = arith.constant 0 : i32
    %cond3A_35 = arith.cmpi ne, %convert_element_type3A_33, %cond3A_34 : i32
    scf.if %cond3A_35 {
      %dma_start3A_386 = arith.constant 384 : i32
      %dma_start3A_387 = arith.constant 0 : i32
      %dma_start3A_388 = tpu.memref_slice %arg5[%dma_start3A_386, %dma_start3A_387] : memref<1000x128xf32, #tpu.memory_space<vmem_shared>> -> memref<64x128xf32, #tpu.memory_space<vmem_shared>>
      %dma_start3A_389 = arith.constant 384 : i32
      %dma_start3A_390 = arith.constant 0 : i32
      %dma_start3A_391 = tpu.memref_slice %arg2[%dma_start3A_389, %dma_start3A_390] : memref<1000x128xf32, #tpu.memory_space<hbm>> -> memref<64x128xf32, #tpu.memory_space<hbm>>
      tpu.enqueue_dma source(%dma_start3A_391 : memref<64x128xf32, #tpu.memory_space<hbm>>) target(%dma_start3A_388 : memref<64x128xf32, #tpu.memory_space<vmem_shared>>) target_semaphore(%arg8 : memref<!tpu.dma_semaphore, #tpu.memory_space<semaphore_mem>>)
      %dma_wait3A_392 = arith.constant 384 : i32
      %dma_wait3A_393 = arith.constant 0 : i32
      %dma_wait3A_394 = tpu.memref_slice %arg5[%dma_wait3A_392, %dma_wait3A_393] : memref<1000x128xf32, #tpu.memory_space<vmem_shared>> -> memref<64x128xf32, #tpu.memory_space<vmem_shared>>
      %dma_wait3A_395 = arith.constant 384 : i32
      %dma_wait3A_396 = arith.constant 0 : i32
      %dma_wait3A_397 = tpu.memref_slice %arg2[%dma_wait3A_395, %dma_wait3A_396] : memref<1000x128xf32, #tpu.memory_space<hbm>> -> memref<64x128xf32, #tpu.memory_space<hbm>>
      tpu.wait_dma2 semaphore(%arg8 : memref<!tpu.dma_semaphore, #tpu.memory_space<semaphore_mem>>) src(%dma_wait3A_397 : memref<64x128xf32, #tpu.memory_space<hbm>>) dst(%dma_wait3A_394 : memref<64x128xf32, #tpu.memory_space<vmem_shared>>)
    } else {
    }
    %eq3A_36 = arith.constant 7 : i32
    %eq3A_37 = arith.cmpi eq, %arg1, %eq3A_36 : i32
    %convert_element_type3A_38 = arith.extui %eq3A_37 : i1 to i32
    %cond3A_39 = arith.constant 0 : i32
    %cond3A_40 = arith.cmpi ne, %convert_element_type3A_38, %cond3A_39 : i32
    scf.if %cond3A_40 {
      %dma_start3A_386 = arith.constant 448 : i32
      %dma_start3A_387 = arith.constant 0 : i32
      %dma_start3A_388 = tpu.memref_slice %arg5[%dma_start3A_386, %dma_start3A_387] : memref<1000x128xf32, #tpu.memory_space<vmem_shared>> -> memref<64x128xf32, #tpu.memory_space<vmem_shared>>
      %dma_start3A_389 = arith.constant 448 : i32
      %dma_start3A_390 = arith.constant 0 : i32
      %dma_start3A_391 = tpu.memref_slice %arg2[%dma_start3A_389, %dma_start3A_390] : memref<1000x128xf32, #tpu.memory_space<hbm>> -> memref<64x128xf32, #tpu.memory_space<hbm>>
      tpu.enqueue_dma source(%dma_start3A_391 : memref<64x128xf32, #tpu.memory_space<hbm>>) target(%dma_start3A_388 : memref<64x128xf32, #tpu.memory_space<vmem_shared>>) target_semaphore(%arg8 : memref<!tpu.dma_semaphore, #tpu.memory_space<semaphore_mem>>)
      %dma_wait3A_392 = arith.constant 448 : i32
      %dma_wait3A_393 = arith.constant 0 : i32
      %dma_wait3A_394 = tpu.memref_slice %arg5[%dma_wait3A_392, %dma_wait3A_393] : memref<1000x128xf32, #tpu.memory_space<vmem_shared>> -> memref<64x128xf32, #tpu.memory_space<vmem_shared>>
      %dma_wait3A_395 = arith.constant 448 : i32
      %dma_wait3A_396 = arith.constant 0 : i32
      %dma_wait3A_397 = tpu.memref_slice %arg2[%dma_wait3A_395, %dma_wait3A_396] : memref<1000x128xf32, #tpu.memory_space<hbm>> -> memref<64x128xf32, #tpu.memory_space<hbm>>
      tpu.wait_dma2 semaphore(%arg8 : memref<!tpu.dma_semaphore, #tpu.memory_space<semaphore_mem>>) src(%dma_wait3A_397 : memref<64x128xf32, #tpu.memory_space<hbm>>) dst(%dma_wait3A_394 : memref<64x128xf32, #tpu.memory_space<vmem_shared>>)
    } else {
    }
    %eq3A_41 = arith.constant 8 : i32
    %eq3A_42 = arith.cmpi eq, %arg1, %eq3A_41 : i32
    %convert_element_type3A_43 = arith.extui %eq3A_42 : i1 to i32
    %cond3A_44 = arith.constant 0 : i32
    %cond3A_45 = arith.cmpi ne, %convert_element_type3A_43, %cond3A_44 : i32
    scf.if %cond3A_45 {
      %dma_start3A_386 = arith.constant 512 : i32
      %dma_start3A_387 = arith.constant 0 : i32
      %dma_start3A_388 = tpu.memref_slice %arg5[%dma_start3A_386, %dma_start3A_387] : memref<1000x128xf32, #tpu.memory_space<vmem_shared>> -> memref<64x128xf32, #tpu.memory_space<vmem_shared>>
      %dma_start3A_389 = arith.constant 512 : i32
      %dma_start3A_390 = arith.constant 0 : i32
      %dma_start3A_391 = tpu.memref_slice %arg2[%dma_start3A_389, %dma_start3A_390] : memref<1000x128xf32, #tpu.memory_space<hbm>> -> memref<64x128xf32, #tpu.memory_space<hbm>>
      tpu.enqueue_dma source(%dma_start3A_391 : memref<64x128xf32, #tpu.memory_space<hbm>>) target(%dma_start3A_388 : memref<64x128xf32, #tpu.memory_space<vmem_shared>>) target_semaphore(%arg8 : memref<!tpu.dma_semaphore, #tpu.memory_space<semaphore_mem>>)
      %dma_wait3A_392 = arith.constant 512 : i32
      %dma_wait3A_393 = arith.constant 0 : i32
      %dma_wait3A_394 = tpu.memref_slice %arg5[%dma_wait3A_392, %dma_wait3A_393] : memref<1000x128xf32, #tpu.memory_space<vmem_shared>> -> memref<64x128xf32, #tpu.memory_space<vmem_shared>>
      %dma_wait3A_395 = arith.constant 512 : i32
      %dma_wait3A_396 = arith.constant 0 : i32
      %dma_wait3A_397 = tpu.memref_slice %arg2[%dma_wait3A_395, %dma_wait3A_396] : memref<1000x128xf32, #tpu.memory_space<hbm>> -> memref<64x128xf32, #tpu.memory_space<hbm>>
      tpu.wait_dma2 semaphore(%arg8 : memref<!tpu.dma_semaphore, #tpu.memory_space<semaphore_mem>>) src(%dma_wait3A_397 : memref<64x128xf32, #tpu.memory_space<hbm>>) dst(%dma_wait3A_394 : memref<64x128xf32, #tpu.memory_space<vmem_shared>>)
    } else {
    }
    %eq3A_46 = arith.constant 9 : i32
    %eq3A_47 = arith.cmpi eq, %arg1, %eq3A_46 : i32
    %convert_element_type3A_48 = arith.extui %eq3A_47 : i1 to i32
    %cond3A_49 = arith.constant 0 : i32
    %cond3A_50 = arith.cmpi ne, %convert_element_type3A_48, %cond3A_49 : i32
    scf.if %cond3A_50 {
      %dma_start3A_386 = arith.constant 576 : i32
      %dma_start3A_387 = arith.constant 0 : i32
      %dma_start3A_388 = tpu.memref_slice %arg5[%dma_start3A_386, %dma_start3A_387] : memref<1000x128xf32, #tpu.memory_space<vmem_shared>> -> memref<64x128xf32, #tpu.memory_space<vmem_shared>>
      %dma_start3A_389 = arith.constant 576 : i32
      %dma_start3A_390 = arith.constant 0 : i32
      %dma_start3A_391 = tpu.memref_slice %arg2[%dma_start3A_389, %dma_start3A_390] : memref<1000x128xf32, #tpu.memory_space<hbm>> -> memref<64x128xf32, #tpu.memory_space<hbm>>
      tpu.enqueue_dma source(%dma_start3A_391 : memref<64x128xf32, #tpu.memory_space<hbm>>) target(%dma_start3A_388 : memref<64x128xf32, #tpu.memory_space<vmem_shared>>) target_semaphore(%arg8 : memref<!tpu.dma_semaphore, #tpu.memory_space<semaphore_mem>>)
      %dma_wait3A_392 = arith.constant 576 : i32
      %dma_wait3A_393 = arith.constant 0 : i32
      %dma_wait3A_394 = tpu.memref_slice %arg5[%dma_wait3A_392, %dma_wait3A_393] : memref<1000x128xf32, #tpu.memory_space<vmem_shared>> -> memref<64x128xf32, #tpu.memory_space<vmem_shared>>
      %dma_wait3A_395 = arith.constant 576 : i32
      %dma_wait3A_396 = arith.constant 0 : i32
      %dma_wait3A_397 = tpu.memref_slice %arg2[%dma_wait3A_395, %dma_wait3A_396] : memref<1000x128xf32, #tpu.memory_space<hbm>> -> memref<64x128xf32, #tpu.memory_space<hbm>>
      tpu.wait_dma2 semaphore(%arg8 : memref<!tpu.dma_semaphore, #tpu.memory_space<semaphore_mem>>) src(%dma_wait3A_397 : memref<64x128xf32, #tpu.memory_space<hbm>>) dst(%dma_wait3A_394 : memref<64x128xf32, #tpu.memory_space<vmem_shared>>)
    } else {
    }
    %eq3A_51 = arith.constant 10 : i32
    %eq3A_52 = arith.cmpi eq, %arg1, %eq3A_51 : i32
    %convert_element_type3A_53 = arith.extui %eq3A_52 : i1 to i32
    %cond3A_54 = arith.constant 0 : i32
    %cond3A_55 = arith.cmpi ne, %convert_element_type3A_53, %cond3A_54 : i32
    scf.if %cond3A_55 {
      %dma_start3A_386 = arith.constant 640 : i32
      %dma_start3A_387 = arith.constant 0 : i32
      %dma_start3A_388 = tpu.memref_slice %arg5[%dma_start3A_386, %dma_start3A_387] : memref<1000x128xf32, #tpu.memory_space<vmem_shared>> -> memref<64x128xf32, #tpu.memory_space<vmem_shared>>
      %dma_start3A_389 = arith.constant 640 : i32
      %dma_start3A_390 = arith.constant 0 : i32
      %dma_start3A_391 = tpu.memref_slice %arg2[%dma_start3A_389, %dma_start3A_390] : memref<1000x128xf32, #tpu.memory_space<hbm>> -> memref<64x128xf32, #tpu.memory_space<hbm>>
      tpu.enqueue_dma source(%dma_start3A_391 : memref<64x128xf32, #tpu.memory_space<hbm>>) target(%dma_start3A_388 : memref<64x128xf32, #tpu.memory_space<vmem_shared>>) target_semaphore(%arg8 : memref<!tpu.dma_semaphore, #tpu.memory_space<semaphore_mem>>)
      %dma_wait3A_392 = arith.constant 640 : i32
      %dma_wait3A_393 = arith.constant 0 : i32
      %dma_wait3A_394 = tpu.memref_slice %arg5[%dma_wait3A_392, %dma_wait3A_393] : memref<1000x128xf32, #tpu.memory_space<vmem_shared>> -> memref<64x128xf32, #tpu.memory_space<vmem_shared>>
      %dma_wait3A_395 = arith.constant 640 : i32
      %dma_wait3A_396 = arith.constant 0 : i32
      %dma_wait3A_397 = tpu.memref_slice %arg2[%dma_wait3A_395, %dma_wait3A_396] : memref<1000x128xf32, #tpu.memory_space<hbm>> -> memref<64x128xf32, #tpu.memory_space<hbm>>
      tpu.wait_dma2 semaphore(%arg8 : memref<!tpu.dma_semaphore, #tpu.memory_space<semaphore_mem>>) src(%dma_wait3A_397 : memref<64x128xf32, #tpu.memory_space<hbm>>) dst(%dma_wait3A_394 : memref<64x128xf32, #tpu.memory_space<vmem_shared>>)
    } else {
    }
    %eq3A_56 = arith.constant 11 : i32
    %eq3A_57 = arith.cmpi eq, %arg1, %eq3A_56 : i32
    %convert_element_type3A_58 = arith.extui %eq3A_57 : i1 to i32
    %cond3A_59 = arith.constant 0 : i32
    %cond3A_60 = arith.cmpi ne, %convert_element_type3A_58, %cond3A_59 : i32
    scf.if %cond3A_60 {
      %dma_start3A_386 = arith.constant 704 : i32
      %dma_start3A_387 = arith.constant 0 : i32
      %dma_start3A_388 = tpu.memref_slice %arg5[%dma_start3A_386, %dma_start3A_387] : memref<1000x128xf32, #tpu.memory_space<vmem_shared>> -> memref<64x128xf32, #tpu.memory_space<vmem_shared>>
      %dma_start3A_389 = arith.constant 704 : i32
      %dma_start3A_390 = arith.constant 0 : i32
      %dma_start3A_391 = tpu.memref_slice %arg2[%dma_start3A_389, %dma_start3A_390] : memref<1000x128xf32, #tpu.memory_space<hbm>> -> memref<64x128xf32, #tpu.memory_space<hbm>>
      tpu.enqueue_dma source(%dma_start3A_391 : memref<64x128xf32, #tpu.memory_space<hbm>>) target(%dma_start3A_388 : memref<64x128xf32, #tpu.memory_space<vmem_shared>>) target_semaphore(%arg8 : memref<!tpu.dma_semaphore, #tpu.memory_space<semaphore_mem>>)
      %dma_wait3A_392 = arith.constant 704 : i32
      %dma_wait3A_393 = arith.constant 0 : i32
      %dma_wait3A_394 = tpu.memref_slice %arg5[%dma_wait3A_392, %dma_wait3A_393] : memref<1000x128xf32, #tpu.memory_space<vmem_shared>> -> memref<64x128xf32, #tpu.memory_space<vmem_shared>>
      %dma_wait3A_395 = arith.constant 704 : i32
      %dma_wait3A_396 = arith.constant 0 : i32
      %dma_wait3A_397 = tpu.memref_slice %arg2[%dma_wait3A_395, %dma_wait3A_396] : memref<1000x128xf32, #tpu.memory_space<hbm>> -> memref<64x128xf32, #tpu.memory_space<hbm>>
      tpu.wait_dma2 semaphore(%arg8 : memref<!tpu.dma_semaphore, #tpu.memory_space<semaphore_mem>>) src(%dma_wait3A_397 : memref<64x128xf32, #tpu.memory_space<hbm>>) dst(%dma_wait3A_394 : memref<64x128xf32, #tpu.memory_space<vmem_shared>>)
    } else {
    }
    %eq3A_61 = arith.constant 12 : i32
    %eq3A_62 = arith.cmpi eq, %arg1, %eq3A_61 : i32
    %convert_element_type3A_63 = arith.extui %eq3A_62 : i1 to i32
    %cond3A_64 = arith.constant 0 : i32
    %cond3A_65 = arith.cmpi ne, %convert_element_type3A_63, %cond3A_64 : i32
    scf.if %cond3A_65 {
      %dma_start3A_386 = arith.constant 768 : i32
      %dma_start3A_387 = arith.constant 0 : i32
      %dma_start3A_388 = tpu.memref_slice %arg5[%dma_start3A_386, %dma_start3A_387] : memref<1000x128xf32, #tpu.memory_space<vmem_shared>> -> memref<64x128xf32, #tpu.memory_space<vmem_shared>>
      %dma_start3A_389 = arith.constant 768 : i32
      %dma_start3A_390 = arith.constant 0 : i32
      %dma_start3A_391 = tpu.memref_slice %arg2[%dma_start3A_389, %dma_start3A_390] : memref<1000x128xf32, #tpu.memory_space<hbm>> -> memref<64x128xf32, #tpu.memory_space<hbm>>
      tpu.enqueue_dma source(%dma_start3A_391 : memref<64x128xf32, #tpu.memory_space<hbm>>) target(%dma_start3A_388 : memref<64x128xf32, #tpu.memory_space<vmem_shared>>) target_semaphore(%arg8 : memref<!tpu.dma_semaphore, #tpu.memory_space<semaphore_mem>>)
      %dma_wait3A_392 = arith.constant 768 : i32
      %dma_wait3A_393 = arith.constant 0 : i32
      %dma_wait3A_394 = tpu.memref_slice %arg5[%dma_wait3A_392, %dma_wait3A_393] : memref<1000x128xf32, #tpu.memory_space<vmem_shared>> -> memref<64x128xf32, #tpu.memory_space<vmem_shared>>
      %dma_wait3A_395 = arith.constant 768 : i32
      %dma_wait3A_396 = arith.constant 0 : i32
      %dma_wait3A_397 = tpu.memref_slice %arg2[%dma_wait3A_395, %dma_wait3A_396] : memref<1000x128xf32, #tpu.memory_space<hbm>> -> memref<64x128xf32, #tpu.memory_space<hbm>>
      tpu.wait_dma2 semaphore(%arg8 : memref<!tpu.dma_semaphore, #tpu.memory_space<semaphore_mem>>) src(%dma_wait3A_397 : memref<64x128xf32, #tpu.memory_space<hbm>>) dst(%dma_wait3A_394 : memref<64x128xf32, #tpu.memory_space<vmem_shared>>)
    } else {
    }
    %eq3A_66 = arith.constant 13 : i32
    %eq3A_67 = arith.cmpi eq, %arg1, %eq3A_66 : i32
    %convert_element_type3A_68 = arith.extui %eq3A_67 : i1 to i32
    %cond3A_69 = arith.constant 0 : i32
    %cond3A_70 = arith.cmpi ne, %convert_element_type3A_68, %cond3A_69 : i32
    scf.if %cond3A_70 {
      %dma_start3A_386 = arith.constant 832 : i32
      %dma_start3A_387 = arith.constant 0 : i32
      %dma_start3A_388 = tpu.memref_slice %arg5[%dma_start3A_386, %dma_start3A_387] : memref<1000x128xf32, #tpu.memory_space<vmem_shared>> -> memref<64x128xf32, #tpu.memory_space<vmem_shared>>
      %dma_start3A_389 = arith.constant 832 : i32
      %dma_start3A_390 = arith.constant 0 : i32
      %dma_start3A_391 = tpu.memref_slice %arg2[%dma_start3A_389, %dma_start3A_390] : memref<1000x128xf32, #tpu.memory_space<hbm>> -> memref<64x128xf32, #tpu.memory_space<hbm>>
      tpu.enqueue_dma source(%dma_start3A_391 : memref<64x128xf32, #tpu.memory_space<hbm>>) target(%dma_start3A_388 : memref<64x128xf32, #tpu.memory_space<vmem_shared>>) target_semaphore(%arg8 : memref<!tpu.dma_semaphore, #tpu.memory_space<semaphore_mem>>)
      %dma_wait3A_392 = arith.constant 832 : i32
      %dma_wait3A_393 = arith.constant 0 : i32
      %dma_wait3A_394 = tpu.memref_slice %arg5[%dma_wait3A_392, %dma_wait3A_393] : memref<1000x128xf32, #tpu.memory_space<vmem_shared>> -> memref<64x128xf32, #tpu.memory_space<vmem_shared>>
      %dma_wait3A_395 = arith.constant 832 : i32
      %dma_wait3A_396 = arith.constant 0 : i32
      %dma_wait3A_397 = tpu.memref_slice %arg2[%dma_wait3A_395, %dma_wait3A_396] : memref<1000x128xf32, #tpu.memory_space<hbm>> -> memref<64x128xf32, #tpu.memory_space<hbm>>
      tpu.wait_dma2 semaphore(%arg8 : memref<!tpu.dma_semaphore, #tpu.memory_space<semaphore_mem>>) src(%dma_wait3A_397 : memref<64x128xf32, #tpu.memory_space<hbm>>) dst(%dma_wait3A_394 : memref<64x128xf32, #tpu.memory_space<vmem_shared>>)
    } else {
    }
    %eq3A_71 = arith.constant 14 : i32
    %eq3A_72 = arith.cmpi eq, %arg1, %eq3A_71 : i32
    %convert_element_type3A_73 = arith.extui %eq3A_72 : i1 to i32
    %cond3A_74 = arith.constant 0 : i32
    %cond3A_75 = arith.cmpi ne, %convert_element_type3A_73, %cond3A_74 : i32
    scf.if %cond3A_75 {
      %dma_start3A_386 = arith.constant 896 : i32
      %dma_start3A_387 = arith.constant 0 : i32
      %dma_start3A_388 = tpu.memref_slice %arg5[%dma_start3A_386, %dma_start3A_387] : memref<1000x128xf32, #tpu.memory_space<vmem_shared>> -> memref<64x128xf32, #tpu.memory_space<vmem_shared>>
      %dma_start3A_389 = arith.constant 896 : i32
      %dma_start3A_390 = arith.constant 0 : i32
      %dma_start3A_391 = tpu.memref_slice %arg2[%dma_start3A_389, %dma_start3A_390] : memref<1000x128xf32, #tpu.memory_space<hbm>> -> memref<64x128xf32, #tpu.memory_space<hbm>>
      tpu.enqueue_dma source(%dma_start3A_391 : memref<64x128xf32, #tpu.memory_space<hbm>>) target(%dma_start3A_388 : memref<64x128xf32, #tpu.memory_space<vmem_shared>>) target_semaphore(%arg8 : memref<!tpu.dma_semaphore, #tpu.memory_space<semaphore_mem>>)
      %dma_wait3A_392 = arith.constant 896 : i32
      %dma_wait3A_393 = arith.constant 0 : i32
      %dma_wait3A_394 = tpu.memref_slice %arg5[%dma_wait3A_392, %dma_wait3A_393] : memref<1000x128xf32, #tpu.memory_space<vmem_shared>> -> memref<64x128xf32, #tpu.memory_space<vmem_shared>>
      %dma_wait3A_395 = arith.constant 896 : i32
      %dma_wait3A_396 = arith.constant 0 : i32
      %dma_wait3A_397 = tpu.memref_slice %arg2[%dma_wait3A_395, %dma_wait3A_396] : memref<1000x128xf32, #tpu.memory_space<hbm>> -> memref<64x128xf32, #tpu.memory_space<hbm>>
      tpu.wait_dma2 semaphore(%arg8 : memref<!tpu.dma_semaphore, #tpu.memory_space<semaphore_mem>>) src(%dma_wait3A_397 : memref<64x128xf32, #tpu.memory_space<hbm>>) dst(%dma_wait3A_394 : memref<64x128xf32, #tpu.memory_space<vmem_shared>>)
    } else {
    }
    %eq3A_76 = arith.constant 15 : i32
    %eq3A_77 = arith.cmpi eq, %arg1, %eq3A_76 : i32
    %convert_element_type3A_78 = arith.extui %eq3A_77 : i1 to i32
    %cond3A_79 = arith.constant 0 : i32
    %cond3A_80 = arith.cmpi ne, %convert_element_type3A_78, %cond3A_79 : i32
    scf.if %cond3A_80 {
      %dma_start3A_386 = arith.constant 960 : i32
      %dma_start3A_387 = arith.constant 0 : i32
      %dma_start3A_388 = tpu.memref_slice %arg5[%dma_start3A_386, %dma_start3A_387] : memref<1000x128xf32, #tpu.memory_space<vmem_shared>> -> memref<40x128xf32, #tpu.memory_space<vmem_shared>>
      %dma_start3A_389 = arith.constant 960 : i32
      %dma_start3A_390 = arith.constant 0 : i32
      %dma_start3A_391 = tpu.memref_slice %arg2[%dma_start3A_389, %dma_start3A_390] : memref<1000x128xf32, #tpu.memory_space<hbm>> -> memref<40x128xf32, #tpu.memory_space<hbm>>
      tpu.enqueue_dma source(%dma_start3A_391 : memref<40x128xf32, #tpu.memory_space<hbm>>) target(%dma_start3A_388 : memref<40x128xf32, #tpu.memory_space<vmem_shared>>) target_semaphore(%arg8 : memref<!tpu.dma_semaphore, #tpu.memory_space<semaphore_mem>>)
      %dma_wait3A_392 = arith.constant 960 : i32
      %dma_wait3A_393 = arith.constant 0 : i32
      %dma_wait3A_394 = tpu.memref_slice %arg5[%dma_wait3A_392, %dma_wait3A_393] : memref<1000x128xf32, #tpu.memory_space<vmem_shared>> -> memref<40x128xf32, #tpu.memory_space<vmem_shared>>
      %dma_wait3A_395 = arith.constant 960 : i32
      %dma_wait3A_396 = arith.constant 0 : i32
      %dma_wait3A_397 = tpu.memref_slice %arg2[%dma_wait3A_395, %dma_wait3A_396] : memref<1000x128xf32, #tpu.memory_space<hbm>> -> memref<40x128xf32, #tpu.memory_space<hbm>>
      tpu.wait_dma2 semaphore(%arg8 : memref<!tpu.dma_semaphore, #tpu.memory_space<semaphore_mem>>) src(%dma_wait3A_397 : memref<40x128xf32, #tpu.memory_space<hbm>>) dst(%dma_wait3A_394 : memref<40x128xf32, #tpu.memory_space<vmem_shared>>)
    } else {
    }
    %dma_wait3A = tpu.memref_slice %arg3[%mul3A_2] : memref<16384xi32, #tpu.memory_space<hbm>> -> memref<512xi32, #tpu.memory_space<hbm>>
    %dma_wait3A_81 = tpu.memref_slice %arg3[%mul3A_2] : memref<16384xi32, #tpu.memory_space<hbm>> -> memref<512xi32, #tpu.memory_space<hbm>>
    tpu.wait_dma2 semaphore(%arg8 : memref<!tpu.dma_semaphore, #tpu.memory_space<semaphore_mem>>) src(%dma_wait3A_81 : memref<512xi32, #tpu.memory_space<hbm>>) dst(%arg6 : memref<512xi32, #tpu.memory_space<vmem>>)
    %barrier3A = arith.constant 0 : index
    tpu.barrier barrier_id(%barrier3A)
    %dma_start3A_82 = arith.constant 0 : i32
    %dma_start3A_83 = arith.constant 0 : i32
    %dma_start3A_84 = tpu.memref_slice %arg7[%dma_start3A_82, %dma_start3A_83] : memref<512x128xf32, #tpu.memory_space<vmem>> -> memref<16x128xf32, #tpu.memory_space<vmem>>
    %dma_start3A_85 = arith.constant 0 : i32
    %dma_start3A_86 = tpu.memref_slice %arg6[%dma_start3A_85] : memref<512xi32, #tpu.memory_space<vmem>> -> memref<16xi32, #tpu.memory_space<vmem>>
    %dma_start3A_87 = arith.constant 0 : i32
    %dma_start3A_88 = arith.constant 0 : i32
    %dma_start3A_89 = tpu.memref_slice %arg5[%dma_start3A_87, %dma_start3A_88] : memref<1000x128xf32, #tpu.memory_space<vmem_shared>> -> memref<1000x128xf32, #tpu.memory_space<vmem_shared>>
    tpu.enqueue_indirect_dma source(%dma_start3A_89 : memref<1000x128xf32, #tpu.memory_space<vmem_shared>>) target(%dma_start3A_84 : memref<16x128xf32, #tpu.memory_space<vmem>>) offsets(%dma_start3A_86 : memref<16xi32, #tpu.memory_space<vmem>>) semaphore(%arg9 : memref<!tpu.dma_semaphore, #tpu.memory_space<semaphore_mem>>)
    %dma_start3A_90 = arith.constant 16 : i32
    %dma_start3A_91 = arith.constant 0 : i32
    %dma_start3A_92 = tpu.memref_slice %arg7[%dma_start3A_90, %dma_start3A_91] : memref<512x128xf32, #tpu.memory_space<vmem>> -> memref<32x128xf32, #tpu.memory_space<vmem>>
    %dma_start3A_93 = arith.constant 16 : i32
    %dma_start3A_94 = tpu.memref_slice %arg6[%dma_start3A_93] : memref<512xi32, #tpu.memory_space<vmem>> -> memref<32xi32, #tpu.memory_space<vmem>>
    %dma_start3A_95 = arith.constant 0 : i32
    %dma_start3A_96 = arith.constant 0 : i32
    %dma_start3A_97 = tpu.memref_slice %arg5[%dma_start3A_95, %dma_start3A_96] : memref<1000x128xf32, #tpu.memory_space<vmem_shared>> -> memref<1000x128xf32, #tpu.memory_space<vmem_shared>>
    tpu.enqueue_indirect_dma source(%dma_start3A_97 : memref<1000x128xf32, #tpu.memory_space<vmem_shared>>) target(%dma_start3A_92 : memref<32x128xf32, #tpu.memory_space<vmem>>) offsets(%dma_start3A_94 : memref<32xi32, #tpu.memory_space<vmem>>) semaphore(%arg9 : memref<!tpu.dma_semaphore, #tpu.memory_space<semaphore_mem>>)
    %dma_start3A_98 = arith.constant 48 : i32
    %dma_start3A_99 = arith.constant 0 : i32
    %dma_start3A_100 = tpu.memref_slice %arg7[%dma_start3A_98, %dma_start3A_99] : memref<512x128xf32, #tpu.memory_space<vmem>> -> memref<64x128xf32, #tpu.memory_space<vmem>>
    %dma_start3A_101 = arith.constant 48 : i32
    %dma_start3A_102 = tpu.memref_slice %arg6[%dma_start3A_101] : memref<512xi32, #tpu.memory_space<vmem>> -> memref<64xi32, #tpu.memory_space<vmem>>
    %dma_start3A_103 = arith.constant 0 : i32
    %dma_start3A_104 = arith.constant 0 : i32
    %dma_start3A_105 = tpu.memref_slice %arg5[%dma_start3A_103, %dma_start3A_104] : memref<1000x128xf32, #tpu.memory_space<vmem_shared>> -> memref<1000x128xf32, #tpu.memory_space<vmem_shared>>
    tpu.enqueue_indirect_dma source(%dma_start3A_105 : memref<1000x128xf32, #tpu.memory_space<vmem_shared>>) target(%dma_start3A_100 : memref<64x128xf32, #tpu.memory_space<vmem>>) offsets(%dma_start3A_102 : memref<64xi32, #tpu.memory_space<vmem>>) semaphore(%arg9 : memref<!tpu.dma_semaphore, #tpu.memory_space<semaphore_mem>>)
    %dma_start3A_106 = arith.constant 112 : i32
    %dma_start3A_107 = arith.constant 0 : i32
    %dma_start3A_108 = tpu.memref_slice %arg7[%dma_start3A_106, %dma_start3A_107] : memref<512x128xf32, #tpu.memory_space<vmem>> -> memref<128x128xf32, #tpu.memory_space<vmem>>
    %dma_start3A_109 = arith.constant 112 : i32
    %dma_start3A_110 = tpu.memref_slice %arg6[%dma_start3A_109] : memref<512xi32, #tpu.memory_space<vmem>> -> memref<128xi32, #tpu.memory_space<vmem>>
    %dma_start3A_111 = arith.constant 0 : i32
    %dma_start3A_112 = arith.constant 0 : i32
    %dma_start3A_113 = tpu.memref_slice %arg5[%dma_start3A_111, %dma_start3A_112] : memref<1000x128xf32, #tpu.memory_space<vmem_shared>> -> memref<1000x128xf32, #tpu.memory_space<vmem_shared>>
    tpu.enqueue_indirect_dma source(%dma_start3A_113 : memref<1000x128xf32, #tpu.memory_space<vmem_shared>>) target(%dma_start3A_108 : memref<128x128xf32, #tpu.memory_space<vmem>>) offsets(%dma_start3A_110 : memref<128xi32, #tpu.memory_space<vmem>>) semaphore(%arg9 : memref<!tpu.dma_semaphore, #tpu.memory_space<semaphore_mem>>)
    %dma_start3A_114 = arith.constant 240 : i32
    %dma_start3A_115 = arith.constant 0 : i32
    %dma_start3A_116 = tpu.memref_slice %arg7[%dma_start3A_114, %dma_start3A_115] : memref<512x128xf32, #tpu.memory_space<vmem>> -> memref<128x128xf32, #tpu.memory_space<vmem>>
    %dma_start3A_117 = arith.constant 240 : i32
    %dma_start3A_118 = tpu.memref_slice %arg6[%dma_start3A_117] : memref<512xi32, #tpu.memory_space<vmem>> -> memref<128xi32, #tpu.memory_space<vmem>>
    %dma_start3A_119 = arith.constant 0 : i32
    %dma_start3A_120 = arith.constant 0 : i32
    %dma_start3A_121 = tpu.memref_slice %arg5[%dma_start3A_119, %dma_start3A_120] : memref<1000x128xf32, #tpu.memory_space<vmem_shared>> -> memref<1000x128xf32, #tpu.memory_space<vmem_shared>>
    tpu.enqueue_indirect_dma source(%dma_start3A_121 : memref<1000x128xf32, #tpu.memory_space<vmem_shared>>) target(%dma_start3A_116 : memref<128x128xf32, #tpu.memory_space<vmem>>) offsets(%dma_start3A_118 : memref<128xi32, #tpu.memory_space<vmem>>) semaphore(%arg9 : memref<!tpu.dma_semaphore, #tpu.memory_space<semaphore_mem>>)
    %dma_start3A_122 = arith.constant 368 : i32
    %dma_start3A_123 = arith.constant 0 : i32
    %dma_start3A_124 = tpu.memref_slice %arg7[%dma_start3A_122, %dma_start3A_123] : memref<512x128xf32, #tpu.memory_space<vmem>> -> memref<96x128xf32, #tpu.memory_space<vmem>>
    %dma_start3A_125 = arith.constant 368 : i32
    %dma_start3A_126 = tpu.memref_slice %arg6[%dma_start3A_125] : memref<512xi32, #tpu.memory_space<vmem>> -> memref<96xi32, #tpu.memory_space<vmem>>
    %dma_start3A_127 = arith.constant 0 : i32
    %dma_start3A_128 = arith.constant 0 : i32
    %dma_start3A_129 = tpu.memref_slice %arg5[%dma_start3A_127, %dma_start3A_128] : memref<1000x128xf32, #tpu.memory_space<vmem_shared>> -> memref<1000x128xf32, #tpu.memory_space<vmem_shared>>
    tpu.enqueue_indirect_dma source(%dma_start3A_129 : memref<1000x128xf32, #tpu.memory_space<vmem_shared>>) target(%dma_start3A_124 : memref<96x128xf32, #tpu.memory_space<vmem>>) offsets(%dma_start3A_126 : memref<96xi32, #tpu.memory_space<vmem>>) semaphore(%arg9 : memref<!tpu.dma_semaphore, #tpu.memory_space<semaphore_mem>>)
    %dma_start3A_130 = arith.constant 464 : i32
    %dma_start3A_131 = arith.constant 0 : i32
    %dma_start3A_132 = tpu.memref_slice %arg7[%dma_start3A_130, %dma_start3A_131] : memref<512x128xf32, #tpu.memory_space<vmem>> -> memref<32x128xf32, #tpu.memory_space<vmem>>
    %dma_start3A_133 = arith.constant 464 : i32
    %dma_start3A_134 = tpu.memref_slice %arg6[%dma_start3A_133] : memref<512xi32, #tpu.memory_space<vmem>> -> memref<32xi32, #tpu.memory_space<vmem>>
    %dma_start3A_135 = arith.constant 0 : i32
    %dma_start3A_136 = arith.constant 0 : i32
    %dma_start3A_137 = tpu.memref_slice %arg5[%dma_start3A_135, %dma_start3A_136] : memref<1000x128xf32, #tpu.memory_space<vmem_shared>> -> memref<1000x128xf32, #tpu.memory_space<vmem_shared>>
    tpu.enqueue_indirect_dma source(%dma_start3A_137 : memref<1000x128xf32, #tpu.memory_space<vmem_shared>>) target(%dma_start3A_132 : memref<32x128xf32, #tpu.memory_space<vmem>>) offsets(%dma_start3A_134 : memref<32xi32, #tpu.memory_space<vmem>>) semaphore(%arg9 : memref<!tpu.dma_semaphore, #tpu.memory_space<semaphore_mem>>)
    %dma_start3A_138 = arith.constant 496 : i32
    %dma_start3A_139 = arith.constant 0 : i32
    %dma_start3A_140 = tpu.memref_slice %arg7[%dma_start3A_138, %dma_start3A_139] : memref<512x128xf32, #tpu.memory_space<vmem>> -> memref<16x128xf32, #tpu.memory_space<vmem>>
    %dma_start3A_141 = arith.constant 496 : i32
    %dma_start3A_142 = tpu.memref_slice %arg6[%dma_start3A_141] : memref<512xi32, #tpu.memory_space<vmem>> -> memref<16xi32, #tpu.memory_space<vmem>>
    %dma_start3A_143 = arith.constant 0 : i32
    %dma_start3A_144 = arith.constant 0 : i32
    %dma_start3A_145 = tpu.memref_slice %arg5[%dma_start3A_143, %dma_start3A_144] : memref<1000x128xf32, #tpu.memory_space<vmem_shared>> -> memref<1000x128xf32, #tpu.memory_space<vmem_shared>>
    tpu.enqueue_indirect_dma source(%dma_start3A_145 : memref<1000x128xf32, #tpu.memory_space<vmem_shared>>) target(%dma_start3A_140 : memref<16x128xf32, #tpu.memory_space<vmem>>) offsets(%dma_start3A_142 : memref<16xi32, #tpu.memory_space<vmem>>) semaphore(%arg9 : memref<!tpu.dma_semaphore, #tpu.memory_space<semaphore_mem>>)
    %dma_wait3A_146 = arith.constant 0 : i32
    %dma_wait3A_147 = arith.constant 0 : i32
    %dma_wait3A_148 = tpu.memref_slice %arg7[%dma_wait3A_146, %dma_wait3A_147] : memref<512x128xf32, #tpu.memory_space<vmem>> -> memref<16x128xf32, #tpu.memory_space<vmem>>
    %dma_wait3A_149 = arith.constant 0 : i32
    %dma_wait3A_150 = tpu.memref_slice %arg6[%dma_wait3A_149] : memref<512xi32, #tpu.memory_space<vmem>> -> memref<16xi32, #tpu.memory_space<vmem>>
    %dma_wait3A_151 = arith.constant 0 : i32
    %dma_wait3A_152 = arith.constant 0 : i32
    %dma_wait3A_153 = tpu.memref_slice %arg5[%dma_wait3A_151, %dma_wait3A_152] : memref<1000x128xf32, #tpu.memory_space<vmem_shared>> -> memref<1000x128xf32, #tpu.memory_space<vmem_shared>>
    tpu.wait_indirect_dma semaphore(%arg9 : memref<!tpu.dma_semaphore, #tpu.memory_space<semaphore_mem>>) src(%dma_wait3A_153 : memref<1000x128xf32, #tpu.memory_space<vmem_shared>>) dst(%dma_wait3A_148 : memref<16x128xf32, #tpu.memory_space<vmem>>)
    %add3A_154 = arith.constant 0 : i32
    %add3A_155 = arith.addi %mul3A_2, %add3A_154 : i32
    %dma_start3A_156 = arith.constant 0 : i32
    %dma_start3A_157 = arith.constant 0 : i32
    %dma_start3A_158 = tpu.memref_slice %arg7[%dma_start3A_156, %dma_start3A_157] : memref<512x128xf32, #tpu.memory_space<vmem>> -> memref<16x128xf32, #tpu.memory_space<vmem>>
    %dma_start3A_159 = arith.constant 0 : i32
    %dma_start3A_160 = tpu.memref_slice %arg4[%add3A_155, %dma_start3A_159] : memref<16384x128xf32, #tpu.memory_space<hbm>> -> memref<16x128xf32, #tpu.memory_space<hbm>>
    %dma_start3A_161 = arith.constant 0 : i32
    %dma_start3A_162 = tpu.memref_slice %arg4[%add3A_155, %dma_start3A_161] : memref<16384x128xf32, #tpu.memory_space<hbm>> -> memref<16x128xf32, #tpu.memory_space<hbm>>
    %dma_start3A_163 = arith.constant 0 : i32
    %dma_start3A_164 = arith.constant 0 : i32
    %dma_start3A_165 = tpu.memref_slice %arg7[%dma_start3A_163, %dma_start3A_164] : memref<512x128xf32, #tpu.memory_space<vmem>> -> memref<16x128xf32, #tpu.memory_space<vmem>>
    tpu.enqueue_dma source(%dma_start3A_165 : memref<16x128xf32, #tpu.memory_space<vmem>>) target(%dma_start3A_162 : memref<16x128xf32, #tpu.memory_space<hbm>>) target_semaphore(%arg10 : memref<!tpu.dma_semaphore, #tpu.memory_space<semaphore_mem>>)
    %dma_wait3A_166 = arith.constant 16 : i32
    %dma_wait3A_167 = arith.constant 0 : i32
    %dma_wait3A_168 = tpu.memref_slice %arg7[%dma_wait3A_166, %dma_wait3A_167] : memref<512x128xf32, #tpu.memory_space<vmem>> -> memref<32x128xf32, #tpu.memory_space<vmem>>
    %dma_wait3A_169 = arith.constant 16 : i32
    %dma_wait3A_170 = tpu.memref_slice %arg6[%dma_wait3A_169] : memref<512xi32, #tpu.memory_space<vmem>> -> memref<32xi32, #tpu.memory_space<vmem>>
    %dma_wait3A_171 = arith.constant 0 : i32
    %dma_wait3A_172 = arith.constant 0 : i32
    %dma_wait3A_173 = tpu.memref_slice %arg5[%dma_wait3A_171, %dma_wait3A_172] : memref<1000x128xf32, #tpu.memory_space<vmem_shared>> -> memref<1000x128xf32, #tpu.memory_space<vmem_shared>>
    tpu.wait_indirect_dma semaphore(%arg9 : memref<!tpu.dma_semaphore, #tpu.memory_space<semaphore_mem>>) src(%dma_wait3A_173 : memref<1000x128xf32, #tpu.memory_space<vmem_shared>>) dst(%dma_wait3A_168 : memref<32x128xf32, #tpu.memory_space<vmem>>)
    %add3A_174 = arith.constant 16 : i32
    %add3A_175 = arith.addi %mul3A_2, %add3A_174 : i32
    %dma_start3A_176 = arith.constant 16 : i32
    %dma_start3A_177 = arith.constant 0 : i32
    %dma_start3A_178 = tpu.memref_slice %arg7[%dma_start3A_176, %dma_start3A_177] : memref<512x128xf32, #tpu.memory_space<vmem>> -> memref<32x128xf32, #tpu.memory_space<vmem>>
    %dma_start3A_179 = arith.constant 0 : i32
    %dma_start3A_180 = tpu.memref_slice %arg4[%add3A_175, %dma_start3A_179] : memref<16384x128xf32, #tpu.memory_space<hbm>> -> memref<32x128xf32, #tpu.memory_space<hbm>>
    %dma_start3A_181 = arith.constant 0 : i32
    %dma_start3A_182 = tpu.memref_slice %arg4[%add3A_175, %dma_start3A_181] : memref<16384x128xf32, #tpu.memory_space<hbm>> -> memref<32x128xf32, #tpu.memory_space<hbm>>
    %dma_start3A_183 = arith.constant 16 : i32
    %dma_start3A_184 = arith.constant 0 : i32
    %dma_start3A_185 = tpu.memref_slice %arg7[%dma_start3A_183, %dma_start3A_184] : memref<512x128xf32, #tpu.memory_space<vmem>> -> memref<32x128xf32, #tpu.memory_space<vmem>>
    tpu.enqueue_dma source(%dma_start3A_185 : memref<32x128xf32, #tpu.memory_space<vmem>>) target(%dma_start3A_182 : memref<32x128xf32, #tpu.memory_space<hbm>>) target_semaphore(%arg10 : memref<!tpu.dma_semaphore, #tpu.memory_space<semaphore_mem>>)
    %dma_wait3A_186 = arith.constant 48 : i32
    %dma_wait3A_187 = arith.constant 0 : i32
    %dma_wait3A_188 = tpu.memref_slice %arg7[%dma_wait3A_186, %dma_wait3A_187] : memref<512x128xf32, #tpu.memory_space<vmem>> -> memref<64x128xf32, #tpu.memory_space<vmem>>
    %dma_wait3A_189 = arith.constant 48 : i32
    %dma_wait3A_190 = tpu.memref_slice %arg6[%dma_wait3A_189] : memref<512xi32, #tpu.memory_space<vmem>> -> memref<64xi32, #tpu.memory_space<vmem>>
    %dma_wait3A_191 = arith.constant 0 : i32
    %dma_wait3A_192 = arith.constant 0 : i32
    %dma_wait3A_193 = tpu.memref_slice %arg5[%dma_wait3A_191, %dma_wait3A_192] : memref<1000x128xf32, #tpu.memory_space<vmem_shared>> -> memref<1000x128xf32, #tpu.memory_space<vmem_shared>>
    tpu.wait_indirect_dma semaphore(%arg9 : memref<!tpu.dma_semaphore, #tpu.memory_space<semaphore_mem>>) src(%dma_wait3A_193 : memref<1000x128xf32, #tpu.memory_space<vmem_shared>>) dst(%dma_wait3A_188 : memref<64x128xf32, #tpu.memory_space<vmem>>)
    %add3A_194 = arith.constant 48 : i32
    %add3A_195 = arith.addi %mul3A_2, %add3A_194 : i32
    %dma_start3A_196 = arith.constant 48 : i32
    %dma_start3A_197 = arith.constant 0 : i32
    %dma_start3A_198 = tpu.memref_slice %arg7[%dma_start3A_196, %dma_start3A_197] : memref<512x128xf32, #tpu.memory_space<vmem>> -> memref<64x128xf32, #tpu.memory_space<vmem>>
    %dma_start3A_199 = arith.constant 0 : i32
    %dma_start3A_200 = tpu.memref_slice %arg4[%add3A_195, %dma_start3A_199] : memref<16384x128xf32, #tpu.memory_space<hbm>> -> memref<64x128xf32, #tpu.memory_space<hbm>>
    %dma_start3A_201 = arith.constant 0 : i32
    %dma_start3A_202 = tpu.memref_slice %arg4[%add3A_195, %dma_start3A_201] : memref<16384x128xf32, #tpu.memory_space<hbm>> -> memref<64x128xf32, #tpu.memory_space<hbm>>
    %dma_start3A_203 = arith.constant 48 : i32
    %dma_start3A_204 = arith.constant 0 : i32
    %dma_start3A_205 = tpu.memref_slice %arg7[%dma_start3A_203, %dma_start3A_204] : memref<512x128xf32, #tpu.memory_space<vmem>> -> memref<64x128xf32, #tpu.memory_space<vmem>>
    tpu.enqueue_dma source(%dma_start3A_205 : memref<64x128xf32, #tpu.memory_space<vmem>>) target(%dma_start3A_202 : memref<64x128xf32, #tpu.memory_space<hbm>>) target_semaphore(%arg10 : memref<!tpu.dma_semaphore, #tpu.memory_space<semaphore_mem>>)
    %dma_wait3A_206 = arith.constant 112 : i32
    %dma_wait3A_207 = arith.constant 0 : i32
    %dma_wait3A_208 = tpu.memref_slice %arg7[%dma_wait3A_206, %dma_wait3A_207] : memref<512x128xf32, #tpu.memory_space<vmem>> -> memref<128x128xf32, #tpu.memory_space<vmem>>
    %dma_wait3A_209 = arith.constant 112 : i32
    %dma_wait3A_210 = tpu.memref_slice %arg6[%dma_wait3A_209] : memref<512xi32, #tpu.memory_space<vmem>> -> memref<128xi32, #tpu.memory_space<vmem>>
    %dma_wait3A_211 = arith.constant 0 : i32
    %dma_wait3A_212 = arith.constant 0 : i32
    %dma_wait3A_213 = tpu.memref_slice %arg5[%dma_wait3A_211, %dma_wait3A_212] : memref<1000x128xf32, #tpu.memory_space<vmem_shared>> -> memref<1000x128xf32, #tpu.memory_space<vmem_shared>>
    tpu.wait_indirect_dma semaphore(%arg9 : memref<!tpu.dma_semaphore, #tpu.memory_space<semaphore_mem>>) src(%dma_wait3A_213 : memref<1000x128xf32, #tpu.memory_space<vmem_shared>>) dst(%dma_wait3A_208 : memref<128x128xf32, #tpu.memory_space<vmem>>)
    %add3A_214 = arith.constant 112 : i32
    %add3A_215 = arith.addi %mul3A_2, %add3A_214 : i32
    %dma_start3A_216 = arith.constant 112 : i32
    %dma_start3A_217 = arith.constant 0 : i32
    %dma_start3A_218 = tpu.memref_slice %arg7[%dma_start3A_216, %dma_start3A_217] : memref<512x128xf32, #tpu.memory_space<vmem>> -> memref<128x128xf32, #tpu.memory_space<vmem>>
    %dma_start3A_219 = arith.constant 0 : i32
    %dma_start3A_220 = tpu.memref_slice %arg4[%add3A_215, %dma_start3A_219] : memref<16384x128xf32, #tpu.memory_space<hbm>> -> memref<128x128xf32, #tpu.memory_space<hbm>>
    %dma_start3A_221 = arith.constant 0 : i32
    %dma_start3A_222 = tpu.memref_slice %arg4[%add3A_215, %dma_start3A_221] : memref<16384x128xf32, #tpu.memory_space<hbm>> -> memref<128x128xf32, #tpu.memory_space<hbm>>
    %dma_start3A_223 = arith.constant 112 : i32
    %dma_start3A_224 = arith.constant 0 : i32
    %dma_start3A_225 = tpu.memref_slice %arg7[%dma_start3A_223, %dma_start3A_224] : memref<512x128xf32, #tpu.memory_space<vmem>> -> memref<128x128xf32, #tpu.memory_space<vmem>>
    tpu.enqueue_dma source(%dma_start3A_225 : memref<128x128xf32, #tpu.memory_space<vmem>>) target(%dma_start3A_222 : memref<128x128xf32, #tpu.memory_space<hbm>>) target_semaphore(%arg10 : memref<!tpu.dma_semaphore, #tpu.memory_space<semaphore_mem>>)
    %dma_wait3A_226 = arith.constant 240 : i32
    %dma_wait3A_227 = arith.constant 0 : i32
    %dma_wait3A_228 = tpu.memref_slice %arg7[%dma_wait3A_226, %dma_wait3A_227] : memref<512x128xf32, #tpu.memory_space<vmem>> -> memref<128x128xf32, #tpu.memory_space<vmem>>
    %dma_wait3A_229 = arith.constant 240 : i32
    %dma_wait3A_230 = tpu.memref_slice %arg6[%dma_wait3A_229] : memref<512xi32, #tpu.memory_space<vmem>> -> memref<128xi32, #tpu.memory_space<vmem>>
    %dma_wait3A_231 = arith.constant 0 : i32
    %dma_wait3A_232 = arith.constant 0 : i32
    %dma_wait3A_233 = tpu.memref_slice %arg5[%dma_wait3A_231, %dma_wait3A_232] : memref<1000x128xf32, #tpu.memory_space<vmem_shared>> -> memref<1000x128xf32, #tpu.memory_space<vmem_shared>>
    tpu.wait_indirect_dma semaphore(%arg9 : memref<!tpu.dma_semaphore, #tpu.memory_space<semaphore_mem>>) src(%dma_wait3A_233 : memref<1000x128xf32, #tpu.memory_space<vmem_shared>>) dst(%dma_wait3A_228 : memref<128x128xf32, #tpu.memory_space<vmem>>)
    %add3A_234 = arith.constant 240 : i32
    %add3A_235 = arith.addi %mul3A_2, %add3A_234 : i32
    %dma_start3A_236 = arith.constant 240 : i32
    %dma_start3A_237 = arith.constant 0 : i32
    %dma_start3A_238 = tpu.memref_slice %arg7[%dma_start3A_236, %dma_start3A_237] : memref<512x128xf32, #tpu.memory_space<vmem>> -> memref<128x128xf32, #tpu.memory_space<vmem>>
    %dma_start3A_239 = arith.constant 0 : i32
    %dma_start3A_240 = tpu.memref_slice %arg4[%add3A_235, %dma_start3A_239] : memref<16384x128xf32, #tpu.memory_space<hbm>> -> memref<128x128xf32, #tpu.memory_space<hbm>>
    %dma_start3A_241 = arith.constant 0 : i32
    %dma_start3A_242 = tpu.memref_slice %arg4[%add3A_235, %dma_start3A_241] : memref<16384x128xf32, #tpu.memory_space<hbm>> -> memref<128x128xf32, #tpu.memory_space<hbm>>
    %dma_start3A_243 = arith.constant 240 : i32
    %dma_start3A_244 = arith.constant 0 : i32
    %dma_start3A_245 = tpu.memref_slice %arg7[%dma_start3A_243, %dma_start3A_244] : memref<512x128xf32, #tpu.memory_space<vmem>> -> memref<128x128xf32, #tpu.memory_space<vmem>>
    tpu.enqueue_dma source(%dma_start3A_245 : memref<128x128xf32, #tpu.memory_space<vmem>>) target(%dma_start3A_242 : memref<128x128xf32, #tpu.memory_space<hbm>>) target_semaphore(%arg10 : memref<!tpu.dma_semaphore, #tpu.memory_space<semaphore_mem>>)
    %dma_wait3A_246 = arith.constant 368 : i32
    %dma_wait3A_247 = arith.constant 0 : i32
    %dma_wait3A_248 = tpu.memref_slice %arg7[%dma_wait3A_246, %dma_wait3A_247] : memref<512x128xf32, #tpu.memory_space<vmem>> -> memref<96x128xf32, #tpu.memory_space<vmem>>
    %dma_wait3A_249 = arith.constant 368 : i32
    %dma_wait3A_250 = tpu.memref_slice %arg6[%dma_wait3A_249] : memref<512xi32, #tpu.memory_space<vmem>> -> memref<96xi32, #tpu.memory_space<vmem>>
    %dma_wait3A_251 = arith.constant 0 : i32
    %dma_wait3A_252 = arith.constant 0 : i32
    %dma_wait3A_253 = tpu.memref_slice %arg5[%dma_wait3A_251, %dma_wait3A_252] : memref<1000x128xf32, #tpu.memory_space<vmem_shared>> -> memref<1000x128xf32, #tpu.memory_space<vmem_shared>>
    tpu.wait_indirect_dma semaphore(%arg9 : memref<!tpu.dma_semaphore, #tpu.memory_space<semaphore_mem>>) src(%dma_wait3A_253 : memref<1000x128xf32, #tpu.memory_space<vmem_shared>>) dst(%dma_wait3A_248 : memref<96x128xf32, #tpu.memory_space<vmem>>)
    %add3A_254 = arith.constant 368 : i32
    %add3A_255 = arith.addi %mul3A_2, %add3A_254 : i32
    %dma_start3A_256 = arith.constant 368 : i32
    %dma_start3A_257 = arith.constant 0 : i32
    %dma_start3A_258 = tpu.memref_slice %arg7[%dma_start3A_256, %dma_start3A_257] : memref<512x128xf32, #tpu.memory_space<vmem>> -> memref<96x128xf32, #tpu.memory_space<vmem>>
    %dma_start3A_259 = arith.constant 0 : i32
    %dma_start3A_260 = tpu.memref_slice %arg4[%add3A_255, %dma_start3A_259] : memref<16384x128xf32, #tpu.memory_space<hbm>> -> memref<96x128xf32, #tpu.memory_space<hbm>>
    %dma_start3A_261 = arith.constant 0 : i32
    %dma_start3A_262 = tpu.memref_slice %arg4[%add3A_255, %dma_start3A_261] : memref<16384x128xf32, #tpu.memory_space<hbm>> -> memref<96x128xf32, #tpu.memory_space<hbm>>
    %dma_start3A_263 = arith.constant 368 : i32
    %dma_start3A_264 = arith.constant 0 : i32
    %dma_start3A_265 = tpu.memref_slice %arg7[%dma_start3A_263, %dma_start3A_264] : memref<512x128xf32, #tpu.memory_space<vmem>> -> memref<96x128xf32, #tpu.memory_space<vmem>>
    tpu.enqueue_dma source(%dma_start3A_265 : memref<96x128xf32, #tpu.memory_space<vmem>>) target(%dma_start3A_262 : memref<96x128xf32, #tpu.memory_space<hbm>>) target_semaphore(%arg10 : memref<!tpu.dma_semaphore, #tpu.memory_space<semaphore_mem>>)
    %dma_wait3A_266 = arith.constant 464 : i32
    %dma_wait3A_267 = arith.constant 0 : i32
    %dma_wait3A_268 = tpu.memref_slice %arg7[%dma_wait3A_266, %dma_wait3A_267] : memref<512x128xf32, #tpu.memory_space<vmem>> -> memref<32x128xf32, #tpu.memory_space<vmem>>
    %dma_wait3A_269 = arith.constant 464 : i32
    %dma_wait3A_270 = tpu.memref_slice %arg6[%dma_wait3A_269] : memref<512xi32, #tpu.memory_space<vmem>> -> memref<32xi32, #tpu.memory_space<vmem>>
    %dma_wait3A_271 = arith.constant 0 : i32
    %dma_wait3A_272 = arith.constant 0 : i32
    %dma_wait3A_273 = tpu.memref_slice %arg5[%dma_wait3A_271, %dma_wait3A_272] : memref<1000x128xf32, #tpu.memory_space<vmem_shared>> -> memref<1000x128xf32, #tpu.memory_space<vmem_shared>>
    tpu.wait_indirect_dma semaphore(%arg9 : memref<!tpu.dma_semaphore, #tpu.memory_space<semaphore_mem>>) src(%dma_wait3A_273 : memref<1000x128xf32, #tpu.memory_space<vmem_shared>>) dst(%dma_wait3A_268 : memref<32x128xf32, #tpu.memory_space<vmem>>)
    %add3A_274 = arith.constant 464 : i32
    %add3A_275 = arith.addi %mul3A_2, %add3A_274 : i32
    %dma_start3A_276 = arith.constant 464 : i32
    %dma_start3A_277 = arith.constant 0 : i32
    %dma_start3A_278 = tpu.memref_slice %arg7[%dma_start3A_276, %dma_start3A_277] : memref<512x128xf32, #tpu.memory_space<vmem>> -> memref<32x128xf32, #tpu.memory_space<vmem>>
    %dma_start3A_279 = arith.constant 0 : i32
    %dma_start3A_280 = tpu.memref_slice %arg4[%add3A_275, %dma_start3A_279] : memref<16384x128xf32, #tpu.memory_space<hbm>> -> memref<32x128xf32, #tpu.memory_space<hbm>>
    %dma_start3A_281 = arith.constant 0 : i32
    %dma_start3A_282 = tpu.memref_slice %arg4[%add3A_275, %dma_start3A_281] : memref<16384x128xf32, #tpu.memory_space<hbm>> -> memref<32x128xf32, #tpu.memory_space<hbm>>
    %dma_start3A_283 = arith.constant 464 : i32
    %dma_start3A_284 = arith.constant 0 : i32
    %dma_start3A_285 = tpu.memref_slice %arg7[%dma_start3A_283, %dma_start3A_284] : memref<512x128xf32, #tpu.memory_space<vmem>> -> memref<32x128xf32, #tpu.memory_space<vmem>>
    tpu.enqueue_dma source(%dma_start3A_285 : memref<32x128xf32, #tpu.memory_space<vmem>>) target(%dma_start3A_282 : memref<32x128xf32, #tpu.memory_space<hbm>>) target_semaphore(%arg10 : memref<!tpu.dma_semaphore, #tpu.memory_space<semaphore_mem>>)
    %dma_wait3A_286 = arith.constant 496 : i32
    %dma_wait3A_287 = arith.constant 0 : i32
    %dma_wait3A_288 = tpu.memref_slice %arg7[%dma_wait3A_286, %dma_wait3A_287] : memref<512x128xf32, #tpu.memory_space<vmem>> -> memref<16x128xf32, #tpu.memory_space<vmem>>
    %dma_wait3A_289 = arith.constant 496 : i32
    %dma_wait3A_290 = tpu.memref_slice %arg6[%dma_wait3A_289] : memref<512xi32, #tpu.memory_space<vmem>> -> memref<16xi32, #tpu.memory_space<vmem>>
    %dma_wait3A_291 = arith.constant 0 : i32
    %dma_wait3A_292 = arith.constant 0 : i32
    %dma_wait3A_293 = tpu.memref_slice %arg5[%dma_wait3A_291, %dma_wait3A_292] : memref<1000x128xf32, #tpu.memory_space<vmem_shared>> -> memref<1000x128xf32, #tpu.memory_space<vmem_shared>>
    tpu.wait_indirect_dma semaphore(%arg9 : memref<!tpu.dma_semaphore, #tpu.memory_space<semaphore_mem>>) src(%dma_wait3A_293 : memref<1000x128xf32, #tpu.memory_space<vmem_shared>>) dst(%dma_wait3A_288 : memref<16x128xf32, #tpu.memory_space<vmem>>)
    %add3A_294 = arith.constant 496 : i32
    %add3A_295 = arith.addi %mul3A_2, %add3A_294 : i32
    %dma_start3A_296 = arith.constant 496 : i32
    %dma_start3A_297 = arith.constant 0 : i32
    %dma_start3A_298 = tpu.memref_slice %arg7[%dma_start3A_296, %dma_start3A_297] : memref<512x128xf32, #tpu.memory_space<vmem>> -> memref<16x128xf32, #tpu.memory_space<vmem>>
    %dma_start3A_299 = arith.constant 0 : i32
    %dma_start3A_300 = tpu.memref_slice %arg4[%add3A_295, %dma_start3A_299] : memref<16384x128xf32, #tpu.memory_space<hbm>> -> memref<16x128xf32, #tpu.memory_space<hbm>>
    %dma_start3A_301 = arith.constant 0 : i32
    %dma_start3A_302 = tpu.memref_slice %arg4[%add3A_295, %dma_start3A_301] : memref<16384x128xf32, #tpu.memory_space<hbm>> -> memref<16x128xf32, #tpu.memory_space<hbm>>
    %dma_start3A_303 = arith.constant 496 : i32
    %dma_start3A_304 = arith.constant 0 : i32
    %dma_start3A_305 = tpu.memref_slice %arg7[%dma_start3A_303, %dma_start3A_304] : memref<512x128xf32, #tpu.memory_space<vmem>> -> memref<16x128xf32, #tpu.memory_space<vmem>>
    tpu.enqueue_dma source(%dma_start3A_305 : memref<16x128xf32, #tpu.memory_space<vmem>>) target(%dma_start3A_302 : memref<16x128xf32, #tpu.memory_space<hbm>>) target_semaphore(%arg10 : memref<!tpu.dma_semaphore, #tpu.memory_space<semaphore_mem>>)
    %dma_wait3A_306 = arith.constant 0 : i32
    %dma_wait3A_307 = arith.constant 0 : i32
    %dma_wait3A_308 = tpu.memref_slice %arg7[%dma_wait3A_306, %dma_wait3A_307] : memref<512x128xf32, #tpu.memory_space<vmem>> -> memref<16x128xf32, #tpu.memory_space<vmem>>
    %dma_wait3A_309 = arith.constant 0 : i32
    %dma_wait3A_310 = tpu.memref_slice %arg4[%add3A_155, %dma_wait3A_309] : memref<16384x128xf32, #tpu.memory_space<hbm>> -> memref<16x128xf32, #tpu.memory_space<hbm>>
    %dma_wait3A_311 = arith.constant 0 : i32
    %dma_wait3A_312 = tpu.memref_slice %arg4[%add3A_155, %dma_wait3A_311] : memref<16384x128xf32, #tpu.memory_space<hbm>> -> memref<16x128xf32, #tpu.memory_space<hbm>>
    %dma_wait3A_313 = arith.constant 0 : i32
    %dma_wait3A_314 = arith.constant 0 : i32
    %dma_wait3A_315 = tpu.memref_slice %arg7[%dma_wait3A_313, %dma_wait3A_314] : memref<512x128xf32, #tpu.memory_space<vmem>> -> memref<16x128xf32, #tpu.memory_space<vmem>>
    tpu.wait_dma2 semaphore(%arg10 : memref<!tpu.dma_semaphore, #tpu.memory_space<semaphore_mem>>) src(%dma_wait3A_315 : memref<16x128xf32, #tpu.memory_space<vmem>>) dst(%dma_wait3A_312 : memref<16x128xf32, #tpu.memory_space<hbm>>)
    %dma_wait3A_316 = arith.constant 16 : i32
    %dma_wait3A_317 = arith.constant 0 : i32
    %dma_wait3A_318 = tpu.memref_slice %arg7[%dma_wait3A_316, %dma_wait3A_317] : memref<512x128xf32, #tpu.memory_space<vmem>> -> memref<32x128xf32, #tpu.memory_space<vmem>>
    %dma_wait3A_319 = arith.constant 0 : i32
    %dma_wait3A_320 = tpu.memref_slice %arg4[%add3A_175, %dma_wait3A_319] : memref<16384x128xf32, #tpu.memory_space<hbm>> -> memref<32x128xf32, #tpu.memory_space<hbm>>
    %dma_wait3A_321 = arith.constant 0 : i32
    %dma_wait3A_322 = tpu.memref_slice %arg4[%add3A_175, %dma_wait3A_321] : memref<16384x128xf32, #tpu.memory_space<hbm>> -> memref<32x128xf32, #tpu.memory_space<hbm>>
    %dma_wait3A_323 = arith.constant 16 : i32
    %dma_wait3A_324 = arith.constant 0 : i32
    %dma_wait3A_325 = tpu.memref_slice %arg7[%dma_wait3A_323, %dma_wait3A_324] : memref<512x128xf32, #tpu.memory_space<vmem>> -> memref<32x128xf32, #tpu.memory_space<vmem>>
    tpu.wait_dma2 semaphore(%arg10 : memref<!tpu.dma_semaphore, #tpu.memory_space<semaphore_mem>>) src(%dma_wait3A_325 : memref<32x128xf32, #tpu.memory_space<vmem>>) dst(%dma_wait3A_322 : memref<32x128xf32, #tpu.memory_space<hbm>>)
    %dma_wait3A_326 = arith.constant 48 : i32
    %dma_wait3A_327 = arith.constant 0 : i32
    %dma_wait3A_328 = tpu.memref_slice %arg7[%dma_wait3A_326, %dma_wait3A_327] : memref<512x128xf32, #tpu.memory_space<vmem>> -> memref<64x128xf32, #tpu.memory_space<vmem>>
    %dma_wait3A_329 = arith.constant 0 : i32
    %dma_wait3A_330 = tpu.memref_slice %arg4[%add3A_195, %dma_wait3A_329] : memref<16384x128xf32, #tpu.memory_space<hbm>> -> memref<64x128xf32, #tpu.memory_space<hbm>>
    %dma_wait3A_331 = arith.constant 0 : i32
    %dma_wait3A_332 = tpu.memref_slice %arg4[%add3A_195, %dma_wait3A_331] : memref<16384x128xf32, #tpu.memory_space<hbm>> -> memref<64x128xf32, #tpu.memory_space<hbm>>
    %dma_wait3A_333 = arith.constant 48 : i32
    %dma_wait3A_334 = arith.constant 0 : i32
    %dma_wait3A_335 = tpu.memref_slice %arg7[%dma_wait3A_333, %dma_wait3A_334] : memref<512x128xf32, #tpu.memory_space<vmem>> -> memref<64x128xf32, #tpu.memory_space<vmem>>
    tpu.wait_dma2 semaphore(%arg10 : memref<!tpu.dma_semaphore, #tpu.memory_space<semaphore_mem>>) src(%dma_wait3A_335 : memref<64x128xf32, #tpu.memory_space<vmem>>) dst(%dma_wait3A_332 : memref<64x128xf32, #tpu.memory_space<hbm>>)
    %dma_wait3A_336 = arith.constant 112 : i32
    %dma_wait3A_337 = arith.constant 0 : i32
    %dma_wait3A_338 = tpu.memref_slice %arg7[%dma_wait3A_336, %dma_wait3A_337] : memref<512x128xf32, #tpu.memory_space<vmem>> -> memref<128x128xf32, #tpu.memory_space<vmem>>
    %dma_wait3A_339 = arith.constant 0 : i32
    %dma_wait3A_340 = tpu.memref_slice %arg4[%add3A_215, %dma_wait3A_339] : memref<16384x128xf32, #tpu.memory_space<hbm>> -> memref<128x128xf32, #tpu.memory_space<hbm>>
    %dma_wait3A_341 = arith.constant 0 : i32
    %dma_wait3A_342 = tpu.memref_slice %arg4[%add3A_215, %dma_wait3A_341] : memref<16384x128xf32, #tpu.memory_space<hbm>> -> memref<128x128xf32, #tpu.memory_space<hbm>>
    %dma_wait3A_343 = arith.constant 112 : i32
    %dma_wait3A_344 = arith.constant 0 : i32
    %dma_wait3A_345 = tpu.memref_slice %arg7[%dma_wait3A_343, %dma_wait3A_344] : memref<512x128xf32, #tpu.memory_space<vmem>> -> memref<128x128xf32, #tpu.memory_space<vmem>>
    tpu.wait_dma2 semaphore(%arg10 : memref<!tpu.dma_semaphore, #tpu.memory_space<semaphore_mem>>) src(%dma_wait3A_345 : memref<128x128xf32, #tpu.memory_space<vmem>>) dst(%dma_wait3A_342 : memref<128x128xf32, #tpu.memory_space<hbm>>)
    %dma_wait3A_346 = arith.constant 240 : i32
    %dma_wait3A_347 = arith.constant 0 : i32
    %dma_wait3A_348 = tpu.memref_slice %arg7[%dma_wait3A_346, %dma_wait3A_347] : memref<512x128xf32, #tpu.memory_space<vmem>> -> memref<128x128xf32, #tpu.memory_space<vmem>>
    %dma_wait3A_349 = arith.constant 0 : i32
    %dma_wait3A_350 = tpu.memref_slice %arg4[%add3A_235, %dma_wait3A_349] : memref<16384x128xf32, #tpu.memory_space<hbm>> -> memref<128x128xf32, #tpu.memory_space<hbm>>
    %dma_wait3A_351 = arith.constant 0 : i32
    %dma_wait3A_352 = tpu.memref_slice %arg4[%add3A_235, %dma_wait3A_351] : memref<16384x128xf32, #tpu.memory_space<hbm>> -> memref<128x128xf32, #tpu.memory_space<hbm>>
    %dma_wait3A_353 = arith.constant 240 : i32
    %dma_wait3A_354 = arith.constant 0 : i32
    %dma_wait3A_355 = tpu.memref_slice %arg7[%dma_wait3A_353, %dma_wait3A_354] : memref<512x128xf32, #tpu.memory_space<vmem>> -> memref<128x128xf32, #tpu.memory_space<vmem>>
    tpu.wait_dma2 semaphore(%arg10 : memref<!tpu.dma_semaphore, #tpu.memory_space<semaphore_mem>>) src(%dma_wait3A_355 : memref<128x128xf32, #tpu.memory_space<vmem>>) dst(%dma_wait3A_352 : memref<128x128xf32, #tpu.memory_space<hbm>>)
    %dma_wait3A_356 = arith.constant 368 : i32
    %dma_wait3A_357 = arith.constant 0 : i32
    %dma_wait3A_358 = tpu.memref_slice %arg7[%dma_wait3A_356, %dma_wait3A_357] : memref<512x128xf32, #tpu.memory_space<vmem>> -> memref<96x128xf32, #tpu.memory_space<vmem>>
    %dma_wait3A_359 = arith.constant 0 : i32
    %dma_wait3A_360 = tpu.memref_slice %arg4[%add3A_255, %dma_wait3A_359] : memref<16384x128xf32, #tpu.memory_space<hbm>> -> memref<96x128xf32, #tpu.memory_space<hbm>>
    %dma_wait3A_361 = arith.constant 0 : i32
    %dma_wait3A_362 = tpu.memref_slice %arg4[%add3A_255, %dma_wait3A_361] : memref<16384x128xf32, #tpu.memory_space<hbm>> -> memref<96x128xf32, #tpu.memory_space<hbm>>
    %dma_wait3A_363 = arith.constant 368 : i32
    %dma_wait3A_364 = arith.constant 0 : i32
    %dma_wait3A_365 = tpu.memref_slice %arg7[%dma_wait3A_363, %dma_wait3A_364] : memref<512x128xf32, #tpu.memory_space<vmem>> -> memref<96x128xf32, #tpu.memory_space<vmem>>
    tpu.wait_dma2 semaphore(%arg10 : memref<!tpu.dma_semaphore, #tpu.memory_space<semaphore_mem>>) src(%dma_wait3A_365 : memref<96x128xf32, #tpu.memory_space<vmem>>) dst(%dma_wait3A_362 : memref<96x128xf32, #tpu.memory_space<hbm>>)
    %dma_wait3A_366 = arith.constant 464 : i32
    %dma_wait3A_367 = arith.constant 0 : i32
    %dma_wait3A_368 = tpu.memref_slice %arg7[%dma_wait3A_366, %dma_wait3A_367] : memref<512x128xf32, #tpu.memory_space<vmem>> -> memref<32x128xf32, #tpu.memory_space<vmem>>
    %dma_wait3A_369 = arith.constant 0 : i32
    %dma_wait3A_370 = tpu.memref_slice %arg4[%add3A_275, %dma_wait3A_369] : memref<16384x128xf32, #tpu.memory_space<hbm>> -> memref<32x128xf32, #tpu.memory_space<hbm>>
    %dma_wait3A_371 = arith.constant 0 : i32
    %dma_wait3A_372 = tpu.memref_slice %arg4[%add3A_275, %dma_wait3A_371] : memref<16384x128xf32, #tpu.memory_space<hbm>> -> memref<32x128xf32, #tpu.memory_space<hbm>>
    %dma_wait3A_373 = arith.constant 464 : i32
    %dma_wait3A_374 = arith.constant 0 : i32
    %dma_wait3A_375 = tpu.memref_slice %arg7[%dma_wait3A_373, %dma_wait3A_374] : memref<512x128xf32, #tpu.memory_space<vmem>> -> memref<32x128xf32, #tpu.memory_space<vmem>>
    tpu.wait_dma2 semaphore(%arg10 : memref<!tpu.dma_semaphore, #tpu.memory_space<semaphore_mem>>) src(%dma_wait3A_375 : memref<32x128xf32, #tpu.memory_space<vmem>>) dst(%dma_wait3A_372 : memref<32x128xf32, #tpu.memory_space<hbm>>)
    %dma_wait3A_376 = arith.constant 496 : i32
    %dma_wait3A_377 = arith.constant 0 : i32
    %dma_wait3A_378 = tpu.memref_slice %arg7[%dma_wait3A_376, %dma_wait3A_377] : memref<512x128xf32, #tpu.memory_space<vmem>> -> memref<16x128xf32, #tpu.memory_space<vmem>>
    %dma_wait3A_379 = arith.constant 0 : i32
    %dma_wait3A_380 = tpu.memref_slice %arg4[%add3A_295, %dma_wait3A_379] : memref<16384x128xf32, #tpu.memory_space<hbm>> -> memref<16x128xf32, #tpu.memory_space<hbm>>
    %dma_wait3A_381 = arith.constant 0 : i32
    %dma_wait3A_382 = tpu.memref_slice %arg4[%add3A_295, %dma_wait3A_381] : memref<16384x128xf32, #tpu.memory_space<hbm>> -> memref<16x128xf32, #tpu.memory_space<hbm>>
    %dma_wait3A_383 = arith.constant 496 : i32
    %dma_wait3A_384 = arith.constant 0 : i32
    %dma_wait3A_385 = tpu.memref_slice %arg7[%dma_wait3A_383, %dma_wait3A_384] : memref<512x128xf32, #tpu.memory_space<vmem>> -> memref<16x128xf32, #tpu.memory_space<vmem>>
    tpu.wait_dma2 semaphore(%arg10 : memref<!tpu.dma_semaphore, #tpu.memory_space<semaphore_mem>>) src(%dma_wait3A_385 : memref<16x128xf32, #tpu.memory_space<vmem>>) dst(%dma_wait3A_382 : memref<16x128xf32, #tpu.memory_space<hbm>>)
    return
  }
}

</mosaic_0001>

<sc_bundles>
// kernel: kernel.3.cloned.1.call-start
scs
__scs_entry_jumppad:
0x0: {  	(pc) =	sbr.rel $0x88, $3  }
0x1: {  	(tag) =	ssettag $0x0;
	lr =	simm.s32 $0x1  }
0x2: {  	[smem:$0x3F9F] =	sst lr;
	_ =	strace $0xD0000000  }
0x3: {  	_ = 	snop  }
0x4: {  	_ = 	snop  }
0x5: {  	_ = 	snop  }
0x6: {  	_ = 	snop  }
0x7: {  	_ = 	snop  }
__scs_overlays_trampoline_lowered:
0x8: {  	[smem:$0x3FAE] =	sst s0  }
0x9: {  	[smem:$0x3FAF] =	sst s1  }
0xa: {  	[smem:$0x3FB0] =	sst s2  }
0xb: {  	[smem:$0x3FB1] =	sst s3  }
0xc: {  	[smem:$0x3FB2] =	sst s4  }
0xd: {  	[smem:$0x3FB3] =	sst s5  }
0xe: {  	[smem:$0x3FB4] =	sst s6  }
0xf: {  	[smem:$0x3FB5] =	sst s7  }
0x10: {  	[smem:$0x3FB6] =	sst s8  }
0x11: {  	[smem:$0x3FB7] =	sst s9;
	s0 =	simm.s32 @!p0 $0x0  }
0x12: {  	s1 =	sld [smem:$0x3F9D];
	s0 =	simm.s32 @p0 $0x1  }
0x13: {  	[smem:$0x3FB8] =	sst s0;
	s0 =	simm.s32 @!p1 $0x0  }
0x14: {  	s2 =	sld [smem:$0x3F9C];
	s0 =	simm.s32 @p1 $0x1  }
0x15: {  	[smem:$0x3FB9] =	sst s0;
	s0 =	simm.s32 @!p2 $0x0  }
0x16: {  	s3 =	sld [smem:$0x3FDB];
	s0 =	simm.s32 @p2 $0x1  }
0x17: {  	s4 =	simm.s32 $0x1BF5;
	[smem:$0x3FBB] =	sst s0  }
0x18: {  	s0 =	sld [smem:$0x3F9E];
	_ =	swait.ge [sflag:s4], $0x0  }
0x19: {  	s7 =	sld [smem:$0x3F9F]  }
0x1a: {  	s8 =	sadd.s32 $0xFFFFE003, lr  }
0x1b: {  	s9 =	sadd.s32 $0xFFFFFEF7, lr;
	s5 =	simm.s32 $0xFFFFFFFF;
	p2 =	slt.u32 s8, $0xFFFFF086  }
0x1c: {  	p1 =	slt.u32 s9, $0xF7A;
	s5 =	simm.s32 @!p2 $0x0  }
0x1d: {  	s5 =	simm.s32 @p1 $0x1;
	p0 =	seq.s32 s7, s2  }
0x1e: {  	s7 =	smul.u32 @!p0 $0xF7A, s2;
	p2 =	seq.s32 @!p0 s5, $0x0  }
0x1f: {  	s9 =	smul.u32 $0xF7A, s1;
	s8 =	simm.s32 @!p0 $0x1BF5;
	p2 =	por !p2, p0  }
0x20: {  	[sflag:s8] =	ssyncset.s32 @!p0 $0xFFFFF086;
	s6 =	sadd.s32 @!p0 s3, s7;
	s7 =	simm.s32 @!p0 $0x108  }
0x21: {  	s3 =	sadd.s32 s3, s9;
	s6 =	sadd.s32 @!p0 $0x88, s6;
	s7 =	simm.s32 @p2 $0x1082  }
0x22: {  	[simem:s7], [sflag:s8] =	dma.local @!p0 [hbm:s6], $0xF7A  }
0x23: {  	s9 =	sor.u32 $0xD0000000, s2;
	s6 =	simm.s32 $0x108;
	_ =	swait.ge @!p0 [sflag:s8], $0x0  }
0x24: {  	s3 =	sadd.s32 $0x88, s3;
	s6 =	simm.s32 @!p1 $0x1082;
	[sflag:s4] =	ssyncset.s32 $0xFFFFF086  }
0x25: {  	[simem:s6], [sflag:s4] =	dma.local [hbm:s3], $0xF7A  }
0x26: {  	[smem:$0x3F9F] =	sst s1;
	(tag) =	ssettag s2;
	_ =	strace s9  }
0x27: {  	s1 =	sld [smem:$0x3FAF]  }
0x28: {  	s2 =	sld [smem:$0x3FB0]  }
0x29: {  	s4 =	sld [smem:$0x3FB2]  }
0x2a: {  	p0 =	seq.s32 s5, $0x0;
	s5 =	sld [smem:$0x3FB3]  }
0x2b: {  	s6 =	sld [smem:$0x3FB4]  }
0x2c: {  	s7 =	sld [smem:$0x3FB5]  }
0x2d: {  	s3 =	simm.s32 $0x108;
	s8 =	sld [smem:$0x3FB6]  }
0x2e: {  	s3 =	simm.s32 @!p0 $0x1082;
	s9 =	sld [smem:$0x3FB7]  }
0x2f: {  	lr =	sadd.s32 s0, s3;
	s0 =	sld [smem:$0x3FAE]  }
0x30: {  	s3 =	sld [smem:$0x3FB1]  }
0x31: {  	[smem:$0x3FBA] =	sst s10  }
0x32: {  	s10 =	sld [smem:$0x3FB8];
	_ =	sdelay $0x3  }
0x33: {  	p0 =	seq.s32 s10, $0x1;
	s10 =	sld [smem:$0x3FBA];
	_ =	sdelay $0x3  }
0x34: {  	[smem:$0x3FBA] =	sst s10  }
0x35: {  	s10 =	sld [smem:$0x3FB9];
	_ =	sdelay $0x3  }
0x36: {  	p1 =	seq.s32 s10, $0x1;
	s10 =	sld [smem:$0x3FBA];
	_ =	sdelay $0x3  }
0x37: {  	[smem:$0x3FBA] =	sst s10  }
0x38: {  	s10 =	sld [smem:$0x3FBB]  }
0x39: {  	_ = 	snop;
	(pc) =	sbr.ind lr, $3  }
0x3a: {  	_ = 	snop  }
0x3b: {  	_ = 	snop  }
0x3c: {  	p2 =	seq.s32 s10, $0x1;
	s10 =	sld [smem:$0x3FBA]  }
0x3d: {  	_ =	shalt  }
0x3e: {  	_ =	shalt  }
0x3f: {  	_ =	shalt  }
0x40: {  	_ =	shalt  }
0x41: {  	_ =	shalt  }
0x42: {  	_ =	shalt  }
0x43: {  	_ =	shalt  }
0x44: {  	_ =	shalt  }
0x45: {  	_ =	shalt  }
0x46: {  	_ =	shalt  }
0x47: {  	_ =	shalt  }
0x48: {  	_ =	shalt  }
0x49: {  	_ =	shalt  }
0x4a: {  	_ =	shalt  }
0x4b: {  	_ =	shalt  }
0x4c: {  	_ =	shalt  }
0x4d: {  	_ =	shalt  }
0x4e: {  	_ =	shalt  }
0x4f: {  	_ =	shalt  }
0x50: {  	_ =	shalt  }
0x51: {  	_ =	shalt  }
0x52: {  	_ =	shalt  }
0x53: {  	_ =	shalt  }
0x54: {  	_ =	shalt  }
0x55: {  	_ =	shalt  }
0x56: {  	_ =	shalt  }
0x57: {  	_ =	shalt  }
0x58: {  	_ =	shalt  }
0x59: {  	_ =	shalt  }
0x5a: {  	_ =	shalt  }
0x5b: {  	_ =	shalt  }
0x5c: {  	_ =	shalt  }
0x5d: {  	_ =	shalt  }
0x5e: {  	_ =	shalt  }
0x5f: {  	_ =	shalt  }
0x60: {  	_ =	shalt  }
0x61: {  	_ =	shalt  }
0x62: {  	_ =	shalt  }
0x63: {  	_ =	shalt  }
0x64: {  	_ =	shalt  }
0x65: {  	_ =	shalt  }
0x66: {  	_ =	shalt  }
0x67: {  	_ =	shalt  }
0x68: {  	_ =	shalt  }
0x69: {  	_ =	shalt  }
0x6a: {  	_ =	shalt  }
0x6b: {  	_ =	shalt  }
0x6c: {  	_ =	shalt  }
0x6d: {  	_ =	shalt  }
0x6e: {  	_ =	shalt  }
0x6f: {  	_ =	shalt  }
0x70: {  	_ =	shalt  }
0x71: {  	_ =	shalt  }
0x72: {  	_ =	shalt  }
0x73: {  	_ =	shalt  }
0x74: {  	_ =	shalt  }
0x75: {  	_ =	shalt  }
0x76: {  	_ =	shalt  }
0x77: {  	_ =	shalt  }
0x78: {  	_ =	shalt  }
0x79: {  	_ =	shalt  }
0x7a: {  	_ =	shalt  }
0x7b: {  	_ =	shalt  }
0x7c: {  	_ =	shalt  }
0x7d: {  	_ =	shalt  }
0x7e: {  	_ =	shalt  }
0x7f: {  	_ =	shalt  }
0x80: {  	_ =	shalt  }
0x81: {  	_ =	shalt  }
0x82: {  	_ =	shalt  }
0x83: {  	_ =	shalt  }
0x84: {  	_ =	shalt  }
0x85: {  	_ =	shalt  }
0x86: {  	_ =	shalt  }
0x87: {  	_ =	shalt  }
.Lfunc_end0:
.L_simem_size_0:
called_computation_lowered:
.L_overlay_start_0:
0x88: {  	s2 =	sld [smem:$0x3FD9]  }
0x89: {  	s3 =	sld [smem:$0x3FFE];
	_ =	sdelay $0x1  }
0x8a: {  	s1 =	srdreg.scid  }
0x8b: {  	s0 =	sand.u32 $0x1, s1  }
0x8c: {  	s18 =	sshll.u32 s0, $0xA;
	s2 =	sadd.s32 s3, s2  }
0x8d: {  	s2 =	sadd.s32 s2, s18  }
0x8e: {  	[smem:$0x3FC6] =	sst s2  }
0x8f: {  	_ = 	snop  }
0x90: {  	s2 =	sld [smem:$0x3FC9]  }
0x91: {  	s19 =	sld [smem:$0x3FC8]  }
0x92: {  	s4 =	sld [smem:$0x3FD0];
	(tm) =	ssettm $0x1  }
0x93: {  	s5 =	sld [smem:$0x3FFB];
	_ =	sdelay $0x3  }
0x94: {  	_ =	strace s5  }
0x95: {  	s5 =	sld [smem:$0x3FFC];
	_ =	sdelay $0x3  }
0x96: {  	_ =	strace s5  }
0x97: {  	s5 =	sld [smem:$0x3FFD];
	_ =	sdelay $0x3  }
0x98: {  	_ =	strace s5  }
0x99: {  	_ =	strace $0x8FFFFFFF  }
0x9a: {  	s20 =	sld [smem:$0x3FDB];
	_ =	sdelay $0x1  }
0x9b: {  	s6 =	simm.s32 $_scs_section_size  }
0x9c: {  	s7 =	simm.s32 $_size__tile_overlayer_lowered;
	s8 =	simm.s32 $_tile_overlayer_lowered  }
0x9d: {  	s23 =	simm.s32 $0x1BFF;
	s22 =	sshll.u32 s8, $0x1;
	s5 =	sadd.s32 s6, s20  }
0x9e: {  	s9 =	simm.s32 $0x0;
	s21 =	sshll.u32 s7, $0x1;
	s7 =	sadd.s32 s22, s5  }
0x9f: {  	[timem:s9], [sflag:s23] =	dma.local [hbm:s7], s21  }
0xa0: {  	_ =	swait.ge [sflag:s23], s21  }
0xa1: {  	s6 =	ssub.s32 $0x0, s21;
	[sflag:s23] =	ssyncset.done $0x0  }
0xa2: {  	[sflag:s23] =	ssyncadd.s32 s6;
	_ =	sdelay $0x1  }
0xa3: {  	s24 =	simm.s32 $0x1B8B  }
0xa4: {  	_ =	swait.ge [sflag:s24], $0x1  }
0xa5: {  	[sflag:s24] =	ssyncset.done $0x0  }
0xa6: {  	s25 =	simm.s32 $0x1B8E;
	[sflag:s24] =	ssyncadd.s32 $0xFFFFFFFF  }
0xa7: {  	s26 =	simm.s32 $execute0_lowered;
	[smem:$0x3FD2] =	sst s25  }
0xa8: {  	s6 =	sshll.u32 s26, $0x1;
	_ =	strace $0x80000046;
	[dreg:$0x1] =	wrdreg $0xFFFFFFFF  }
0xa9: {  	s28 =	simm.s32 $_size_execute0_lowered;
	s5 =	sadd.s32 s5, s6;
	[dreg:$0x0] =	wrdreg $0x0  }
0xaa: {  	s6 =	sshll.u32 s28, $0x1;
	[dreg:$0x2] =	wrdreg s5  }
0xab: {  	[dreg:$0x3] =	wrdreg s6  }
0xac: {  	[dreg:$0x4] =	wrdreg $0xC0  }
0xad: {  	_ =	task [dreg:s9], $0x5FFFF  }
0xae: {  	[dreg:$0x1] =	wrdreg $0xFFFFFFFF  }
0xaf: {  	[dreg:$0x0] =	wrdreg $0x60  }
0xb0: {  	[dreg:$0x2] =	wrdreg s19  }
0xb1: {  	[dreg:$0x3] =	wrdreg s2  }
0xb2: {  	[dreg:$0x4] =	wrdreg s4  }
0xb3: {  	[dreg:$0x5] =	wrdreg $0x0  }
0xb4: {  	[dreg:$0x6] =	wrdreg $0x9  }
0xb5: {  	_ =	task.clear_ibuf [dreg:s9], $0x7FFFF;
	_ =	strace $0x90000046  }
0xb6: {  	s29 =	simm.s32 $0x9;
	_ =	strace $0x80000048  }
0xb7: {  	_ =	swait.ge [sflag:s29], $0x1  }
0xb8: {  	[sflag:s29] =	ssyncadd.s32 $0xFFFFFFFF  }
0xb9: {  	_ =	strace $0x90000048  }
0xba: {  	_ =	sfence  }
0xbb: {  	s30 =	sld [smem:$0x0];
	_ =	sdelay $0x2  }
0xbc: {  	s31 =	sshll.u32 s1, $0xD;
	s1 =	sshrl.u32 s1, $0x2  }
0xbd: {  	s3 =	sand.u32 $0x4000, s31;
	s1 =	sadd.s32 s1, s30  }
0xbe: {  	s0 =	sor.u32 s3, s0;
	s1 =	sshll.u32 s1, $0x11  }
0xbf: {  	s0 =	sor.u32 s1, s0  }
0xc0: {  	s0 =	sadd.s32 $0x8F2B, s0  }
0xc1: {  	[sflag:s0] =	ssyncadd.remote.s32 $0x1  }
0xc2: {  	_ =	sfence.sel $0xFFFF  }
0xc3: {  	[dreg:$0x0] =	wrdreg $0xFFFFFFFF;
	(pc) =	sbr.abs _section_cstart, $3  }
0xc4: {  	[dreg:$0x1] =	wrdreg $0xFFFFFFFF  }
0xc5: {  	_ =	task.clear_ibuf [dreg:s9], $0x2FFFF;
	_ =	strace $0x9FFFFFFF  }
0xc6: {  	(tm) =	ssettm $0x7FFFFFFF  }
0xc7: {  	_ =	shalt  }
tec
execute0_lowered:
.L_overlay_start_1:
0x0: {  	(tag) =	ssettag $0x1  }
0x1: {  	s22 =	stileid.u32  }
0x2: {  	p0 =	sgt.s32 s22, $0x3  }
0x3: {  	p1 =	sgt.s32 @p0 s22, $0x5  }
0x4: {  	s25 =	rddreg [dreg:$0x1];
	p2 =	por !p1, !p0  }
0x5: {  	s26 =	rddreg [dreg:$0x2];
	p2 =	seq.s32 @!p2 s22, $0x6  }
0x6: {  	s3 =	rddreg [dreg:$0x3];
	p3 =	por p1, !p0;
	p4 =	por @p0 !p2, !p1  }
0x7: {  	p5 =	sgt.s32 @!p0 s22, $0x1;
	p3 =	seq.s32 @!p3 s22, $0x4;
	s0 =	simm.s32 @!p4 $0x0  }
0x8: {  	p2 =	por @p0 p2, !p1;
	p6 =	por @p0 !p3, p1;
	s0 =	simm.s32 @p4 $0x1  }
0x9: {  	p1 =	por @p0 p3, p1;
	[smem:$0x7E8] =	sst s0;
	s0 =	simm.s32 @!p2 $0x0  }
0xa: {  	s0 =	simm.s32 @p2 $0x1;
	p2 =	por !p5, p0;
	s21 =	sld [smem:$0x7E8]  }
0xb: {  	[smem:$0x7E9] =	sst s0;
	s0 =	simm.s32 @!p1 $0x0;
	p2 =	seq.s32 @!p2 s22, $0x2  }
0xc: {  	p3 =	por p5, p0;
	s0 =	simm.s32 @p1 $0x1;
	p1 =	por @!p0 !p2, !p5  }
0xd: {  	p4 =	por @!p0 p2, !p5;
	p2 =	seq.s32 @!p3 s22, $0x0;
	s23 =	sld [smem:$0x7E9]  }
0xe: {  	p3 =	por @!p0 !p2, p5;
	p5 =	por @!p0 p2, p5;
	p2 =	seq.s32 s21, $0x1  }
0xf: {  	s9 =	srdreg.scid;
	s4 =	simm.s32 $0x0;
	p2 =	por p2, !p0  }
0x10: {  	s29 =	simm.s32 $0x3940;
	[smem:$0x7EA] =	sst s0;
	s0 =	simm.s32 @!p2 $0x0  }
0x11: {  	s30 =	simm.s32 $0x80;
	s0 =	simm.s32 @p2 $0x1;
	p2 =	seq.s32 s23, $0x1  }
0x12: {  	s28 =	simm.s32 $0x11940;
	s24 =	sld [smem:$0x7EA];
	p2 =	por p2, !p0  }
0x13: {  	s31 =	simm.s32 $0x2;
	[smem:$0x7F0] =	sst s0;
	s0 =	simm.s32 @!p2 $0x0  }
0x14: {  	[smem:$0x7FF] =	sst s4;
	s0 =	simm.s32 @p2 $0x1;
	p2 =	por p6, !p0  }
0x15: {  	p6 =	seq.s32 s24, $0x1;
	[smem:$0x7F1] =	sst s0;
	s0 =	simm.s32 @!p2 $0x0  }
0x16: {  	s11 =	sadd.s32 $0x18000, s3;
	p6 =	por p6, !p0;
	s0 =	simm.s32 @p2 $0x1  }
0x17: {  	s12 =	sadd.s32 $0x16000, s3;
	[smem:$0x7F2] =	sst s0;
	s0 =	simm.s32 @!p6 $0x0  }
0x18: {  	s13 =	sadd.s32 $0x14000, s3;
	p1 =	por p1, p0;
	s0 =	simm.s32 @p6 $0x1  }
0x19: {  	p4 =	por p4, p0;
	[smem:$0x7F3] =	sst s0;
	s0 =	simm.s32 @!p1 $0x0  }
0x1a: {  	p2 =	sgt.s32 s22, $0xB;
	p6 =	por p3, p0;
	s0 =	simm.s32 @p1 $0x1  }
0x1b: {  	p1 =	sgt.s32 @p2 s22, $0xD;
	[smem:$0x7F4] =	sst s0;
	s0 =	simm.s32 @!p4 $0x0  }
0x1c: {  	p0 =	por p5, p0;
	p3 =	por !p1, !p2;
	s0 =	simm.s32 @p4 $0x1  }
0x1d: {  	p3 =	seq.s32 @!p3 s22, $0xE;
	[smem:$0x7F5] =	sst s0;
	s0 =	simm.s32 @!p0 $0x0  }
0x1e: {  	s23 =	rddreg [dreg:$0x0];
	s0 =	simm.s32 @p0 $0x1;
	p0 =	por @p2 !p3, !p1  }
0x1f: {  	s14 =	sadd.s32 $0x12000, s3;
	[smem:$0x7F6] =	sst s0;
	s0 =	simm.s32 @!p0 $0x0  }
0x20: {  	p4 =	por p1, !p2;
	s0 =	simm.s32 @p0 $0x1;
	p0 =	por @p2 p3, !p1  }
0x21: {  	p4 =	seq.s32 @!p4 s22, $0xC;
	[smem:$0x7EB] =	sst s0;
	s0 =	simm.s32 @!p0 $0x0  }
0x22: {  	s0 =	simm.s32 @p0 $0x1;
	p0 =	por @p2 !p4, p1;
	s2 =	sld [smem:$0x7EB]  }
0x23: {  	s15 =	sadd.s32 $0x10000, s3;
	[smem:$0x7EC] =	sst s0;
	s0 =	simm.s32 @!p0 $0x0  }
0x24: {  	s0 =	simm.s32 @p0 $0x1;
	p0 =	por @p2 p4, p1;
	p1 =	sgt.s32 @!p2 s22, $0x9  }
0x25: {  	[smem:$0x7ED] =	sst s0;
	s0 =	simm.s32 @!p0 $0x0;
	p3 =	por p1, p2  }
0x26: {  	s5 =	sld [smem:$0x7EC];
	s0 =	simm.s32 @p0 $0x1;
	p3 =	seq.s32 @!p3 s22, $0x8  }
0x27: {  	p0 =	por !p1, p2;
	s6 =	sld [smem:$0x7ED];
	p4 =	por @!p2 !p3, p1  }
0x28: {  	[smem:$0x7EE] =	sst s0;
	p0 =	seq.s32 @!p0 s22, $0xA;
	s1 =	simm.s32 @!p4 $0x0  }
0x29: {  	p3 =	por @!p2 p3, p1;
	s1 =	simm.s32 @p4 $0x1;
	p4 =	seq.s32 s2, $0x1  }
0x2a: {  	p5 =	por @!p2 !p0, !p1;
	p0 =	por @!p2 p0, !p1;
	p1 =	por p4, !p2  }
0x2b: {  	s7 =	sld [smem:$0x7EE];
	p4 =	seq.s32 s5, $0x1;
	s2 =	simm.s32 @!p1 $0x0  }
0x2c: {  	[smem:$0x7EF] =	sst s1;
	s2 =	simm.s32 @p1 $0x1;
	p1 =	por p4, !p2  }
0x2d: {  	p4 =	seq.s32 s6, $0x1;
	[smem:$0x7F7] =	sst s2;
	s2 =	simm.s32 @!p1 $0x0  }
0x2e: {  	s8 =	sld [smem:$0x7EF];
	s2 =	simm.s32 @p1 $0x1;
	p1 =	por p4, !p2  }
0x2f: {  	s17 =	sadd.s32 $0xC000, s3;
	[smem:$0x7F8] =	sst s2;
	s2 =	simm.s32 @!p1 $0x0  }
0x30: {  	s6 =	sshll.u32 s22, $0xA;
	p4 =	seq.s32 s7, $0x1;
	s2 =	simm.s32 @p1 $0x1  }
0x31: {  	p1 =	seq.s32 s8, $0x1;
	[smem:$0x7F9] =	sst s2;
	s2 =	sand.u32 $0x1, s9  }
0x32: {  	s8 =	sadd.s32 $0x3800, s23;
	s9 =	sadd.s32 $0x3400, s23;
	s5 =	ssub.s32 $0x2, s2  }
0x33: {  	s2 =	sshll.u32 s2, $0x9;
	_ =	strace $0x80000047;
	[dreg:$0x6] =	wrdreg s8  }
0x34: {  	[dreg:$0x7] =	wrdreg s9;
	s7 =	sshrl.u32 s5, $0x1;
	s2 =	sor.u32 s2, s6  }
0x35: {  	s6 =	sld [smem:$0x7F1];
	s24 =	sshrl.u32 s2, $0x3;
	s2 =	sshll.u32 s2, $0x4  }
0x36: {  	s10 =	ssub.s32 s5, s7;
	s9 =	sadd.s32 s26, s2;
	s26 =	sld [smem:$0x7F0]  }
0x37: {  	s5 =	sadd.s32 s25, s24;
	s25 =	sadd.s32 $0x3C00, s23;
	s24 =	sld [smem:$0x7F4]  }
0x38: {  	p5 =	por p5, p2;
	p0 =	por p0, p2;
	[dreg:$0x5] =	wrdreg s25  }
0x39: {  	p4 =	por p4, !p2;
	p1 =	por p1, p2;
	s25 =	sld [smem:$0x7F5]  }
0x3a: {  	p2 =	por p3, p2;
	p3 =	seq.s32 s26, $0x1;
	s26 =	sld [smem:$0x7F6]  }
0x3b: {  	s16 =	sadd.s32 $0xE000, s3;
	s2 =	sshrl.u32 @!p3 s17, $0x3;
	s17 =	sld [smem:$0x7F2]  }
0x3c: {  	s18 =	sadd.s32 $0xA000, s3;
	p3 =	seq.s32 s6, $0x1;
	s6 =	sld [smem:$0x7F8]  }
0x3d: {  	s19 =	sadd.s32 $0x8000, s3;
	[dreg:$0x8] =	wrdreg s2;
	s2 =	sshrl.u32 @!p3 s16, $0x3  }
0x3e: {  	s20 =	sadd.s32 $0x6000, s3;
	[dreg:$0x9] =	wrdreg s2;
	p3 =	seq.s32 s17, $0x1  }
0x3f: {  	s16 =	sadd.s32 $0x2800, s23;
	s2 =	sshrl.u32 @!p3 s19, $0x3;
	s19 =	sld [smem:$0x7F3]  }
0x40: {  	s21 =	sadd.s32 $0x4000, s3;
	[dreg:$0x19] =	wrdreg s16;
	s17 =	sadd.s32 $0x2400, s23  }
0x41: {  	s0 =	sadd.s32 $0x1E000, s3;
	s1 =	sadd.s32 $0x2000, s3;
	[dreg:$0x1a] =	wrdreg s17  }
0x42: {  	[dreg:$0xa] =	wrdreg s2;
	p3 =	seq.s32 s19, $0x1;
	s19 =	sadd.s32 $0x1C00, s23  }
0x43: {  	s8 =	sadd.s32 $0x1A000, s3;
	s2 =	sshrl.u32 @!p3 s18, $0x3;
	[dreg:$0x1c] =	wrdreg s19  }
0x44: {  	s7 =	sadd.s32 $0x1C000, s3;
	s18 =	sadd.s32 $0x2000, s23;
	[dreg:$0xb] =	wrdreg s2  }
0x45: {  	p3 =	seq.s32 s24, $0x1;
	s24 =	sadd.s32 $0xC00, s23;
	[dreg:$0x1b] =	wrdreg s18  }
0x46: {  	s10 =	smax.u32 s10, $0x1;
	s2 =	sshrl.u32 @!p3 s21, $0x3;
	[smem:$0x7FB] =	sst s24  }
0x47: {  	p3 =	seq.s32 s25, $0x1;
	s21 =	sadd.s32 $0x1400, s23;
	[dreg:$0xc] =	wrdreg s2  }
0x48: {  	s16 =	sadd.s32 $0x1700, s9;
	s2 =	sshrl.u32 @!p3 s20, $0x3;
	[dreg:$0x1e] =	wrdreg s21  }
0x49: {  	s17 =	sadd.s32 $0x1D00, s9;
	s19 =	simm.s32 $0x1F40;
	[dreg:$0xd] =	wrdreg s2  }
0x4a: {  	s25 =	sadd.s32 $0x800, s23;
	s18 =	sadd.s32 $0x1F00, s9;
	s2 =	sld [smem:$0x7F7]  }
0x4b: {  	p3 =	seq.s32 s26, $0x1;
	s20 =	sadd.s32 $0x1800, s23;
	[smem:$0x7FC] =	sst s25  }
0x4c: {  	s24 =	simm.s32 $0x10940;
	s1 =	sshrl.u32 @!p3 s1, $0x3;
	[dreg:$0x1d] =	wrdreg s20  }
0x4d: {  	s26 =	sadd.s32 $0x400, s23;
	[dreg:$0xe] =	wrdreg s1;
	p3 =	seq.s32 s2, $0x1  }
0x4e: {  	s21 =	simm.s32 $0x10;
	s1 =	sshrl.u32 @!p3 s7, $0x3;
	s7 =	sld [smem:$0x7F9]  }
0x4f: {  	s25 =	simm.s32 $0x2940;
	[smem:$0x7FD] =	sst s26;
	s20 =	simm.s32 $0x1  }
0x50: {  	s26 =	simm.s32 $0x2130;
	s2 =	simm.s32 $0x5940;
	p3 =	seq.s32 s6, $0x1  }
0x51: {  	[dreg:$0xf] =	wrdreg s1;
	s0 =	sshrl.u32 @!p3 s0, $0x3;
	p3 =	seq.s32 s7, $0x1  }
0x52: {  	s1 =	simm.s32 $0x9940;
	[dreg:$0x10] =	wrdreg s0;
	s0 =	sshrl.u32 @!p3 s11, $0x3  }
0x53: {  	p3 =	sgt.s32 s22, $0x7;
	s22 =	sadd.s32 $0x1000, s23;
	[dreg:$0x11] =	wrdreg s0  }
0x54: {  	s0 =	sshrl.u32 @!p4 s8, $0x3;
	[dreg:$0x1f] =	wrdreg s22;
	s22 =	simm.s32 $0x2140  }
0x55: {  	s8 =	simm.s32 $0xD940;
	[dreg:$0x12] =	wrdreg s0;
	s0 =	sshrl.u32 @!p5 s13, $0x3  }
0x56: {  	s13 =	sadd.s32 $0x300, s9;
	[dreg:$0x13] =	wrdreg s0;
	s0 =	sshrl.u32 @!p0 s12, $0x3  }
0x57: {  	s12 =	sadd.s32 $0x100, s9;
	[dreg:$0x14] =	wrdreg s0;
	s0 =	sshrl.u32 @!p1 s15, $0x3  }
.Ltmp0:
0x58: {  	s15 =	sadd.s32 $0x2C00, s23;
	[dreg:$0x15] =	wrdreg s0;
	(pc) =	sbr.rel .LBB2_1-.Ltmp0, $4  }
0x59: {  	s0 =	sshrl.u32 @!p2 s14, $0x3;
	s14 =	sadd.s32 $0x3000, s23;
	[dreg:$0x18] =	wrdreg s15  }
0x5a: {  	s15 =	sadd.s32 $0xF00, s9;
	[dreg:$0x16] =	wrdreg s0;
	s0 =	simm.s32 @!p3 $0x0  }
0x5b: {  	s23 =	simm.s32 $0x20;
	[dreg:$0x17] =	wrdreg s14;
	s0 =	simm.s32 @p3 $0x1  }
0x5c: {  	s14 =	sadd.s32 $0x700, s9;
	[smem:$0x7FA] =	sst s0;
	s0 =	simm.s32 $0x3  }
.LBB2_3:
0x5d: {  	s6 =	sld [smem:$0x7F7];
	_ =	sdelay $0x2  }
0x5e: {  	s7 =	rddreg [dreg:$0x6];
	p3 =	seq.s32 s6, $0x1  }
0x5f: {  	s11 =	rddreg [dreg:$0xf];
	s6 =	simm.s32 @!p3 $0x1F81  }
0x60: {  	[spmem:s11], [sflag:s6] =	dma.local @!p3 [hbm:s7], $0x400  }
0x61: {  	s6 =	simm.s32 @!p3 $0x1  }
0x62: {  	_ =	swait.ge @!p3 [sflag:s6], $0x400  }
0x63: {  	s7 =	sld [smem:$0x7F8];
	_ =	sdelay $0x1  }
0x64: {  	[sflag:s6] =	ssyncset.done @!p3 $0x0  }
0x65: {  	s11 =	rddreg [dreg:$0x10];
	[sflag:s6] =	ssyncadd.s32 @!p3 $0xFFFFFC00;
	p3 =	seq.s32 s7, $0x1  }
0x66: {  	s7 =	rddreg [dreg:$0x5];
	s6 =	simm.s32 @!p3 $0x1FC1  }
0x67: {  	[spmem:s11], [sflag:s6] =	dma.local @!p3 [hbm:s7], $0x280  }
0x68: {  	s6 =	simm.s32 @!p3 $0x1  }
0x69: {  	_ =	swait.ge @!p3 [sflag:s6], $0x280  }
0x6a: {  	s11 =	sld [smem:$0x7F9];
	_ =	sdelay $0x1  }
0x6b: {  	[sflag:s6] =	ssyncset.done @!p3 $0x0  }
0x6c: {  	s7 =	rddreg [dreg:$0x11];
	[sflag:s6] =	ssyncadd.s32 @!p3 $0xFFFFFD80;
	p3 =	seq.s32 s11, $0x1  }
0x6d: {  	s11 =	rddreg [dreg:$0x17];
	s6 =	simm.s32 @!p3 $0x1F01  }
0x6e: {  	[spmem:s7], [sflag:s6] =	dma.local @!p3 [hbm:s11], $0x400  }
0x6f: {  	s6 =	simm.s32 @!p3 $0x1  }
0x70: {  	_ =	swait.ge @!p3 [sflag:s6], $0x400  }
0x71: {  	[sflag:s6] =	ssyncset.done @!p3 $0x0;
	s7 =	rddreg [dreg:$0x7]  }
0x72: {  	s11 =	rddreg [dreg:$0x12];
	[sflag:s6] =	ssyncadd.s32 @!p3 $0xFFFFFC00;
	s6 =	simm.s32 @!p4 $0x1F41  }
0x73: {  	[spmem:s11], [sflag:s6] =	dma.local @!p4 [hbm:s7], $0x400  }
0x74: {  	s6 =	simm.s32 @!p4 $0x1  }
0x75: {  	_ =	swait.ge @!p4 [sflag:s6], $0x400  }
0x76: {  	[sflag:s6] =	ssyncset.done @!p4 $0x0;
	s7 =	rddreg [dreg:$0x13]  }
0x77: {  	s11 =	rddreg [dreg:$0x19];
	[sflag:s6] =	ssyncadd.s32 @!p4 $0xFFFFFC00;
	s6 =	simm.s32 @!p5 $0x1E81  }
0x78: {  	[spmem:s7], [sflag:s6] =	dma.local @!p5 [hbm:s11], $0x400  }
0x79: {  	s6 =	simm.s32 @!p5 $0x1  }
0x7a: {  	_ =	swait.ge @!p5 [sflag:s6], $0x400  }
0x7b: {  	[sflag:s6] =	ssyncset.done @!p5 $0x0;
	s7 =	rddreg [dreg:$0x14]  }
0x7c: {  	s11 =	rddreg [dreg:$0x18];
	[sflag:s6] =	ssyncadd.s32 @!p5 $0xFFFFFC00;
	s6 =	simm.s32 @!p0 $0x1EC1  }
0x7d: {  	[spmem:s7], [sflag:s6] =	dma.local @!p0 [hbm:s11], $0x400  }
0x7e: {  	s6 =	simm.s32 @!p0 $0x1  }
0x7f: {  	_ =	swait.ge @!p0 [sflag:s6], $0x400  }
0x80: {  	[sflag:s6] =	ssyncset.done @!p0 $0x0;
	s7 =	rddreg [dreg:$0x15]  }
0x81: {  	s11 =	rddreg [dreg:$0x1b];
	[sflag:s6] =	ssyncadd.s32 @!p0 $0xFFFFFC00;
	s6 =	simm.s32 @!p1 $0x1E01  }
0x82: {  	[spmem:s7], [sflag:s6] =	dma.local @!p1 [hbm:s11], $0x400  }
0x83: {  	s6 =	simm.s32 @!p1 $0x1  }
0x84: {  	_ =	swait.ge @!p1 [sflag:s6], $0x400  }
0x85: {  	[sflag:s6] =	ssyncset.done @!p1 $0x0;
	s7 =	rddreg [dreg:$0x16]  }
0x86: {  	s11 =	rddreg [dreg:$0x1a];
	[sflag:s6] =	ssyncadd.s32 @!p1 $0xFFFFFC00;
	s6 =	simm.s32 @!p2 $0x1E41  }
0x87: {  	[spmem:s7], [sflag:s6] =	dma.local @!p2 [hbm:s11], $0x400  }
0x88: {  	s6 =	simm.s32 @!p2 $0x1  }
0x89: {  	_ =	swait.ge @!p2 [sflag:s6], $0x400  }
0x8a: {  	[sflag:s6] =	ssyncset.done @!p2 $0x0  }
0x8b: {  	[sflag:s6] =	ssyncadd.s32 @!p2 $0xFFFFFC00  }
.LBB2_4:
0x8c: {  	_ =	swait.ge [sflag:s20], $0x200  }
0x8d: {  	[sflag:s20] =	ssyncset.done $0x0  }
0x8e: {  	[sflag:s20] =	ssyncadd.s32 $0xFFFFFE00  }
0x8f: {  	[bflag:$0x0] =	sbarrier.arrive $0xFFFF  }
0x90: {  	[tilespmem:s22], [sflag:$0x2] =	stream.indirect.gather [spmem:s3], $0x80, s19, s21, $0xb8;
	[tilespmem:$0x12140] =	vst v63  }
0x91: {  	s6 =	simm.s32 $0x1F50  }
0x92: {  	[tilespmem:s25], [sflag:$0x2] =	stream.indirect.gather [spmem:s3], $0x80, s6, s23, $0xb8;
	[tilespmem:$0x12140] =	vst v63  }
0x93: {  	s11 =	simm.s32 $0x40;
	s7 =	simm.s32 $0x1F70  }
0x94: {  	[tilespmem:s29], [sflag:$0x2] =	stream.indirect.gather [spmem:s3], $0x80, s7, s11, $0xb8;
	[tilespmem:$0x12140] =	vst v63  }
0x95: {  	s7 =	simm.s32 $0x1FB0  }
0x96: {  	[tilespmem:s2], [sflag:$0x2] =	stream.indirect.gather [spmem:s3], $0x80, s7, s30, $0xb8;
	[tilespmem:$0x12140] =	vst v63  }
0x97: {  	s11 =	simm.s32 $0x2030  }
0x98: {  	[tilespmem:s1], [sflag:$0x2] =	stream.indirect.gather [spmem:s3], $0x80, s11, s30, $0xb8;
	[tilespmem:$0x12140] =	vst v63  }
0x99: {  	s7 =	simm.s32 $0x60;
	s11 =	simm.s32 $0x20B0  }
0x9a: {  	[tilespmem:s8], [sflag:$0x2] =	stream.indirect.gather [spmem:s3], $0x80, s11, s7, $0xb8;
	[tilespmem:$0x12140] =	vst v63  }
0x9b: {  	s11 =	simm.s32 $0x2110  }
0x9c: {  	[tilespmem:s24], [sflag:$0x2] =	stream.indirect.gather [spmem:s3], $0x80, s11, s23, $0xb8;
	[tilespmem:$0x12140] =	vst v63  }
0x9d: {  	_ = 	snop  }
0x9e: {  	[tilespmem:s28], [sflag:$0x2] =	stream.indirect.gather [spmem:s3], $0x80, s26, s21, $0xb8;
	[tilespmem:$0x12140] =	vst v63  }
0x9f: {  	_ =	swait.ge [sflag:s31], $0x800  }
0xa0: {  	[sflag:s31] =	ssyncset.done $0x0  }
0xa1: {  	[sflag:s31] =	ssyncadd.s32 $0xFFFFF800  }
0xa2: {  	[hbm4b:s9+s4] =	stream.linear.scatter [tilespmem:s22], [sflag:$0x3], $0x800, $0x38;
	[tilespmem:$0x12140] =	vst v63  }
0xa3: {  	_ =	swait.ge [sflag:s31], $0x1000  }
0xa4: {  	[sflag:s31] =	ssyncset.done $0x0  }
0xa5: {  	[sflag:s31] =	ssyncadd.s32 $0xFFFFF000  }
0xa6: {  	[hbm4b:s12+s4] =	stream.linear.scatter [tilespmem:s25], [sflag:$0x3], $0x1000, $0x38;
	[tilespmem:$0x12140] =	vst v63  }
0xa7: {  	_ =	swait.ge [sflag:s31], $0x2000  }
0xa8: {  	[sflag:s31] =	ssyncset.done $0x0  }
0xa9: {  	[sflag:s31] =	ssyncadd.s32 $0xFFFFE000  }
0xaa: {  	[hbm4b:s13+s4] =	stream.linear.scatter [tilespmem:s29], [sflag:$0x3], $0x2000, $0x38;
	[tilespmem:$0x12140] =	vst v63  }
0xab: {  	_ =	swait.ge [sflag:s31], $0x4000  }
0xac: {  	[sflag:s31] =	ssyncset.done $0x0  }
0xad: {  	[sflag:s31] =	ssyncadd.s32 $0xFFFFC000  }
0xae: {  	[hbm4b:s14+s4] =	stream.linear.scatter [tilespmem:s2], [sflag:$0x3], $0x4000, $0x38;
	[tilespmem:$0x12140] =	vst v63  }
0xaf: {  	_ =	swait.ge [sflag:s31], $0x4000  }
0xb0: {  	[sflag:s31] =	ssyncset.done $0x0  }
0xb1: {  	[sflag:s31] =	ssyncadd.s32 $0xFFFFC000  }
0xb2: {  	[hbm4b:s15+s4] =	stream.linear.scatter [tilespmem:s1], [sflag:$0x3], $0x4000, $0x38;
	[tilespmem:$0x12140] =	vst v63  }
0xb3: {  	_ =	swait.ge [sflag:s31], $0x3000  }
0xb4: {  	[sflag:s31] =	ssyncset.done $0x0  }
0xb5: {  	[sflag:s31] =	ssyncadd.s32 $0xFFFFD000  }
0xb6: {  	[hbm4b:s16+s4] =	stream.linear.scatter [tilespmem:s8], [sflag:$0x3], $0x3000, $0x38;
	[tilespmem:$0x12140] =	vst v63  }
0xb7: {  	_ =	swait.ge [sflag:s31], $0x1000  }
0xb8: {  	[sflag:s31] =	ssyncset.done $0x0  }
0xb9: {  	[sflag:s31] =	ssyncadd.s32 $0xFFFFF000  }
0xba: {  	[hbm4b:s17+s4] =	stream.linear.scatter [tilespmem:s24], [sflag:$0x3], $0x1000, $0x38;
	[tilespmem:$0x12140] =	vst v63  }
0xbb: {  	_ =	swait.ge [sflag:s31], $0x800  }
0xbc: {  	[sflag:s31] =	ssyncset.done $0x0  }
0xbd: {  	[sflag:s31] =	ssyncadd.s32 $0xFFFFF800  }
0xbe: {  	[hbm4b:s18+s4] =	stream.linear.scatter [tilespmem:s28], [sflag:$0x3], $0x800, $0x38;
	[tilespmem:$0x12140] =	vst v63  }
0xbf: {  	_ =	swait.ge [sflag:s0], $0x800  }
0xc0: {  	[sflag:s0] =	ssyncset.done $0x0  }
0xc1: {  	[sflag:s0] =	ssyncadd.s32 $0xFFFFF800  }
0xc2: {  	_ =	swait.ge [sflag:s0], $0x1000  }
0xc3: {  	[sflag:s0] =	ssyncset.done $0x0  }
0xc4: {  	[sflag:s0] =	ssyncadd.s32 $0xFFFFF000  }
0xc5: {  	_ =	swait.ge [sflag:s0], $0x2000  }
0xc6: {  	[sflag:s0] =	ssyncset.done $0x0  }
0xc7: {  	[sflag:s0] =	ssyncadd.s32 $0xFFFFE000  }
0xc8: {  	_ =	swait.ge [sflag:s0], $0x4000  }
0xc9: {  	[sflag:s0] =	ssyncset.done $0x0  }
0xca: {  	[sflag:s0] =	ssyncadd.s32 $0xFFFFC000  }
0xcb: {  	_ =	swait.ge [sflag:s0], $0x4000  }
0xcc: {  	[sflag:s0] =	ssyncset.done $0x0  }
0xcd: {  	[sflag:s0] =	ssyncadd.s32 $0xFFFFC000  }
0xce: {  	_ =	swait.ge [sflag:s0], $0x3000  }
0xcf: {  	[sflag:s0] =	ssyncset.done $0x0  }
0xd0: {  	s10 =	sadd.s32 $0xFFFFFFFF, s10;
	[sflag:s0] =	ssyncadd.s32 $0xFFFFD000  }
0xd1: {  	p3 =	sne.s32 s10, $0x0;
	_ =	swait.ge [sflag:s0], $0x1000  }
.Ltmp1:
0xd2: {  	[sflag:s0] =	ssyncset.done $0x0;
	(pc) =	sbr.rel @!p3 .LBB2_5-.Ltmp1, $4  }
0xd3: {  	[sflag:s0] =	ssyncadd.s32 $0xFFFFF000  }
0xd4: {  	_ =	swait.ge [sflag:s0], $0x800  }
0xd5: {  	[sflag:s0] =	ssyncset.done $0x0  }
0xd6: {  	[sflag:s0] =	ssyncadd.s32 $0xFFFFF800  }
.LBB2_1:
0xd7: {  	s6 =	sld [smem:$0x7FA];
	_ =	sdelay $0x2  }
0xd8: {  	p3 =	seq.s32 s6, $0x1  }
.Ltmp2:
0xd9: {  	_ = 	snop;
	(pc) =	sbr.rel @p3 .LBB2_3-.Ltmp2, $2  }
0xda: {  	_ =	sdelay $0x2  }
0xdb: {  	[tilespmem:s19], [sflag:$0x1] =	stream.linear.gather [hbm4b:s5+s4], $0x200, $0x38;
	[tilespmem:$0x12140] =	vst v63  }
0xdc: {  	s6 =	sld [smem:$0x7F0];
	_ =	sdelay $0x2  }
0xdd: {  	s7 =	rddreg [dreg:$0x8];
	p3 =	seq.s32 s6, $0x1  }
0xde: {  	s11 =	rddreg [dreg:$0x1d];
	s6 =	simm.s32 @!p3 $0x1D81  }
0xdf: {  	[spmem:s7], [sflag:s6] =	dma.local @!p3 [hbm:s11], $0x400  }
0xe0: {  	s6 =	simm.s32 @!p3 $0x1  }
0xe1: {  	_ =	swait.ge @!p3 [sflag:s6], $0x400  }
0xe2: {  	s7 =	sld [smem:$0x7F1];
	_ =	sdelay $0x1  }
0xe3: {  	[sflag:s6] =	ssyncset.done @!p3 $0x0  }
0xe4: {  	s11 =	rddreg [dreg:$0x1c];
	[sflag:s6] =	ssyncadd.s32 @!p3 $0xFFFFFC00;
	p3 =	seq.s32 s7, $0x1  }
0xe5: {  	s7 =	rddreg [dreg:$0x9];
	s6 =	simm.s32 @!p3 $0x1DC1  }
0xe6: {  	[spmem:s7], [sflag:s6] =	dma.local @!p3 [hbm:s11], $0x400  }
0xe7: {  	s6 =	simm.s32 @!p3 $0x1  }
0xe8: {  	_ =	swait.ge @!p3 [sflag:s6], $0x400  }
0xe9: {  	s11 =	sld [smem:$0x7F2];
	_ =	sdelay $0x1  }
0xea: {  	[sflag:s6] =	ssyncset.done @!p3 $0x0  }
0xeb: {  	s7 =	rddreg [dreg:$0xa];
	[sflag:s6] =	ssyncadd.s32 @!p3 $0xFFFFFC00;
	p3 =	seq.s32 s11, $0x1  }
0xec: {  	s11 =	rddreg [dreg:$0x1f];
	s6 =	simm.s32 @!p3 $0x1D01  }
0xed: {  	[spmem:s7], [sflag:s6] =	dma.local @!p3 [hbm:s11], $0x400  }
0xee: {  	s6 =	simm.s32 @!p3 $0x1  }
0xef: {  	_ =	swait.ge @!p3 [sflag:s6], $0x400  }
0xf0: {  	s7 =	sld [smem:$0x7F3];
	_ =	sdelay $0x1  }
0xf1: {  	[sflag:s6] =	ssyncset.done @!p3 $0x0  }
0xf2: {  	s11 =	rddreg [dreg:$0x1e];
	[sflag:s6] =	ssyncadd.s32 @!p3 $0xFFFFFC00;
	p3 =	seq.s32 s7, $0x1  }
0xf3: {  	s7 =	rddreg [dreg:$0xb];
	s6 =	simm.s32 @!p3 $0x1D41  }
0xf4: {  	[spmem:s7], [sflag:s6] =	dma.local @!p3 [hbm:s11], $0x400  }
0xf5: {  	s6 =	simm.s32 @!p3 $0x1  }
0xf6: {  	_ =	swait.ge @!p3 [sflag:s6], $0x400  }
0xf7: {  	s11 =	sld [smem:$0x7F4];
	_ =	sdelay $0x1  }
0xf8: {  	[sflag:s6] =	ssyncset.done @!p3 $0x0  }
0xf9: {  	[sflag:s6] =	ssyncadd.s32 @!p3 $0xFFFFFC00;
	p3 =	seq.s32 s11, $0x1;
	s11 =	sld [smem:$0x7FC]  }
0xfa: {  	_ = 	snop  }
0xfb: {  	s7 =	rddreg [dreg:$0xc];
	s6 =	simm.s32 @!p3 $0x1C81  }
0xfc: {  	[spmem:s7], [sflag:s6] =	dma.local @!p3 [hbm:s11], $0x400  }
0xfd: {  	s6 =	simm.s32 @!p3 $0x1  }
0xfe: {  	_ =	swait.ge @!p3 [sflag:s6], $0x400  }
0xff: {  	s7 =	sld [smem:$0x7F5];
	_ =	sdelay $0x1  }
0x100: {  	[sflag:s6] =	ssyncset.done @!p3 $0x0;
	s11 =	sld [smem:$0x7FB]  }
0x101: {  	[sflag:s6] =	ssyncadd.s32 @!p3 $0xFFFFFC00;
	p3 =	seq.s32 s7, $0x1  }
0x102: {  	s7 =	rddreg [dreg:$0xd];
	s6 =	simm.s32 @!p3 $0x1CC1  }
0x103: {  	[spmem:s7], [sflag:s6] =	dma.local @!p3 [hbm:s11], $0x400  }
0x104: {  	s6 =	simm.s32 @!p3 $0x1  }
0x105: {  	_ =	swait.ge @!p3 [sflag:s6], $0x400  }
0x106: {  	[sflag:s6] =	ssyncset.done @!p3 $0x0  }
0x107: {  	[sflag:s6] =	ssyncadd.s32 @!p3 $0xFFFFFC00  }
0x108: {  	s7 =	simm.s32 @!p6 $0x1C01;
	s6 =	sshrl.u32 @!p6 s3, $0x3;
	s11 =	rddreg [dreg:$0x0]  }
0x109: {  	[spmem:s6], [sflag:s7] =	dma.local @!p6 [hbm:s11], $0x400  }
0x10a: {  	s6 =	simm.s32 @!p6 $0x1  }
0x10b: {  	_ =	swait.ge @!p6 [sflag:s6], $0x400  }
0x10c: {  	s11 =	sld [smem:$0x7F6];
	_ =	sdelay $0x2  }
0x10d: {  	p3 =	seq.s32 s11, $0x1;
	s11 =	sld [smem:$0x7FD]  }
0x10e: {  	[sflag:s6] =	ssyncset.done @!p6 $0x0  }
0x10f: {  	s7 =	rddreg [dreg:$0xe];
	[sflag:s6] =	ssyncadd.s32 @!p6 $0xFFFFFC00;
	s6 =	simm.s32 @!p3 $0x1C41  }
0x110: {  	[spmem:s7], [sflag:s6] =	dma.local @!p3 [hbm:s11], $0x400  }
.Ltmp3:
0x111: {  	_ = 	snop;
	(pc) =	sbr.rel .LBB2_4-.Ltmp3, $4  }
0x112: {  	s6 =	simm.s32 @!p3 $0x1  }
0x113: {  	_ =	swait.ge @!p3 [sflag:s6], $0x400  }
0x114: {  	[sflag:s6] =	ssyncset.done @!p3 $0x0  }
0x115: {  	[sflag:s6] =	ssyncadd.s32 @!p3 $0xFFFFFC00  }
.LBB2_5:
0x116: {  	_ =	sfence.sel $0x180000  }
0x117: {  	[bflag:$0x0] =	sbarrier.arrive $0xFFFF  }
0x118: {  	_ =	strace $0x90000047  }
0x119: {  	s0 =	stileid.u32;
	[bflag:$0x2] =	sbarrier.arrive $0xFFFF  }
0x11a: {  	p0 =	sne.s32 s0, $0x0;
	s0 =	rddreg [dreg:$0x4]  }
0x11b: {  	s0 =	sadd.s32 @!p0 $0x100000, s0  }
0x11c: {  	[sflag:s0] =	ssyncadd.tile.s32 @!p0 $0x1;
	_ =	shalt  }
.Lfunc_end2:
_tile_overlayer_lowered:
.L_overlay_start_2:
0x11d: {  	(tag) =	ssettag $0x2  }
0x11e: {  	s0 =	rddreg [dreg:$0x0];
	s2 =	stileid.u32  }
0x11f: {  	s1 =	rddreg [dreg:$0x1];
	p0 =	sne.s32 s2, $0x0  }
0x120: {  	s3 =	rddreg [dreg:$0x2];
	[bflag:$0x3] =	sbarrier.arrive $0xFFFF;
	s2 =	simm.s32 @!p0 $0x1C04  }
0x121: {  	[timem:s3], [sflag:s2] =	dma.local @!p0 [hbm:s0], s1  }
0x122: {  	s0 =	simm.s32 @!p0 $0x4  }
0x123: {  	_ =	swait.ge @!p0 [sflag:s0], s1  }
0x124: {  	s1 =	ssub.s32 @!p0 $0x0, s1;
	[sflag:s0] =	ssyncset.done @!p0 $0x0  }
0x125: {  	[sflag:s0] =	ssyncadd.s32 @!p0 s1  }
0x126: {  	[bflag:$0x3] =	sbarrier.arrive $0xFFFF  }
0x127: {  	_ =	shalt  }

</sc_bundles>
